<compile_context>
chip_gen: v7x
topology: tpu7x:2x2x1
jax: 0.10.2.dev20260603
libtpu: 0.0.44.dev20260713+nightly
codegen_flags: <defaults>
</compile_context>

<pallas_src>
import jax
import jax.numpy as jnp
from jax.experimental import pallas as pl
from jax.experimental.pallas import tpu as pltpu

S, D, H, E, K, FFN = 2048, 768, 12, 8, 2, 2048
DH = D // H

_bf = jnp.bfloat16


def _dotT(a, b):
    return jax.lax.dot_general(
        a.astype(_bf), b.astype(_bf), (((1,), (1,)), ((), ())),
        preferred_element_type=jnp.float32)


def _ln_rows(x, g, b):
    m = jnp.mean(x, axis=-1, keepdims=True)
    v = jnp.mean((x - m) ** 2, axis=-1, keepdims=True)
    return (x - m) / jnp.sqrt(v + 1e-5) * g + b


def _qkv_body(xq_ref, xkv_ref, wq_ref, wk_ref, wv_ref, bq_ref, bk_ref, bv_ref,
              q_ref, k_ref, v_ref):
    q_ref[...] = (_dotT(xq_ref[...], wq_ref[...]) + bq_ref[...]).astype(_bf)
    k_ref[...] = (_dotT(xkv_ref[...], wk_ref[...]) + bk_ref[...]).astype(_bf)
    v_ref[...] = (_dotT(xkv_ref[...], wv_ref[...]) + bv_ref[...]).astype(_bf)


def _qkv_proj(xq, xkv, wqkv, bqkv):
    RB = 256
    grid = (S // RB,)
    wq, wk, wv = wqkv[:D], wqkv[D:2 * D], wqkv[2 * D:]
    bq, bk, bv = bqkv[:D], bqkv[D:2 * D], bqkv[2 * D:]
    full_w = pl.BlockSpec((D, D), lambda i: (0, 0))
    full_b = pl.BlockSpec((D,), lambda i: (0,))
    row = pl.BlockSpec((RB, D), lambda i: (i, 0))
    return pl.pallas_call(
        _qkv_body,
        grid=grid,
        in_specs=[row, row, full_w, full_w, full_w, full_b, full_b, full_b],
        out_specs=[row, row, row],
        out_shape=[jax.ShapeDtypeStruct((S, D), _bf)] * 3,
    )(xq, xkv, wq, wk, wv, bq, bk, bv)


def _attn_one_head(qh, kh, vh):
    s = jax.lax.dot_general(qh, kh, (((1,), (1,)), ((), ())),
                            preferred_element_type=jnp.float32)
    m = jnp.max(s, axis=1, keepdims=True)
    p = jnp.exp((s - m) * 0.125)
    l = jnp.sum(p, axis=1, keepdims=True)
    return jax.lax.dot_general(
        (p / l).astype(_bf), vh, (((1,), (0,)), ((), ())),
        preferred_element_type=jnp.float32)


HPAIR = H // 2


def _attnproj_body(q_ref, k_ref, v_ref, wo_ref, bo_ref, res_ref, g_ref, b_ref,
                   y_ref, acc_ref):
    hp = pl.program_id(1)
    q2, k2, v2 = q_ref[...], k_ref[...], v_ref[...]
    oa = _attn_one_head(q2[:, :DH], k2[:, :DH], v2[:, :DH])
    ob = _attn_one_head(q2[:, DH:], k2[:, DH:], v2[:, DH:])
    o2 = jnp.concatenate([oa, ob], axis=1)
    contrib = jax.lax.dot_general(
        o2.astype(_bf), wo_ref[...].astype(_bf), (((1,), (1,)), ((), ())),
        preferred_element_type=jnp.float32)

    @pl.when(hp == 0)
    def _():
        acc_ref[...] = res_ref[...] + (contrib + bo_ref[...])

    @pl.when(hp > 0)
    def _():
        acc_ref[...] += contrib

    @pl.when(hp == HPAIR - 1)
    def _():
        y_ref[...] = _ln_rows(acc_ref[...], g_ref[...], b_ref[...])


def _attention_proj_ln(q, k, v, wo, bo, res, ln_g, ln_b):
    QB = 1024
    grid = (S // QB, HPAIR)
    full_d = pl.BlockSpec((D,), lambda qb, hp: (0,))
    return pl.pallas_call(
        _attnproj_body,
        grid=grid,
        in_specs=[
            pl.BlockSpec((QB, 2 * DH), lambda qb, hp: (qb, hp)),
            pl.BlockSpec((S, 2 * DH), lambda qb, hp: (0, hp)),
            pl.BlockSpec((S, 2 * DH), lambda qb, hp: (0, hp)),
            pl.BlockSpec((D, 2 * DH), lambda qb, hp: (0, hp)),
            full_d,
            pl.BlockSpec((QB, D), lambda qb, hp: (qb, 0)),
            full_d, full_d,
        ],
        out_specs=pl.BlockSpec((QB, D), lambda qb, hp: (qb, 0)),
        out_shape=jax.ShapeDtypeStruct((S, D), jnp.float32),
        scratch_shapes=[pltpu.VMEM((QB, D), jnp.float32)],
    )(q, k, v, wo, bo, res, ln_g, ln_b)


def _mha_block(xq, xkv, wqkv, bqkv, wo, bo, res, ln_g, ln_b):
    q, k, v = _qkv_proj(xq, xkv, wqkv, bqkv)
    return _attention_proj_ln(q, k, v, wo, bo, res, ln_g, ln_b)


NCHUNK = 24
CH = 256
LG = NCHUNK * CH


def _router_meta_body(x_ref, nw_ref, nb_ref,
                      d_ref, g1_ref, g2_ref, ce_ref, cv_ref):
    logits = _dotT(x_ref[...], nw_ref[...]) + nb_ref[...]
    iota = jax.lax.broadcasted_iota(jnp.int32, (S, E), 1)
    v1 = jnp.max(logits, axis=1, keepdims=True)
    i1 = jnp.min(jnp.where(logits == v1, iota, E), axis=1, keepdims=True)
    l2 = jnp.where(iota == i1, -jnp.inf, logits)
    v2 = jnp.max(l2, axis=1, keepdims=True)
    i2 = jnp.min(jnp.where(l2 == v2, iota, E), axis=1, keepdims=True)
    e2 = jnp.exp(v2 - v1)
    den = 1.0 + e2
    g1_ref[...] = 1.0 / den
    g2_ref[...] = e2 / den

    oh1 = (iota == i1).astype(jnp.float32)
    oh2 = (iota == i2).astype(jnp.float32)
    r = jax.lax.broadcasted_iota(jnp.int32, (S, S), 0)
    c = jax.lax.broadcasted_iota(jnp.int32, (S, S), 1)
    tril = (c < r).astype(_bf)
    pre1 = jax.lax.dot_general(tril, oh1.astype(_bf), (((1,), (0,)), ((), ())),
                               preferred_element_type=jnp.float32)
    pre2 = jax.lax.dot_general(tril, oh2.astype(_bf), (((1,), (0,)), ((), ())),
                               preferred_element_type=jnp.float32)
    r1 = jnp.sum(pre1 * oh1, axis=1, keepdims=True)
    r2 = jnp.sum(pre2 * oh2, axis=1, keepdims=True)

    cnt1 = jnp.sum(oh1, axis=0, keepdims=True)
    cnt2 = jnp.sum(oh2, axis=0, keepdims=True)
    cnt = cnt1 + cnt2
    nch = jnp.floor((cnt + (CH - 1)) / CH)
    er = jax.lax.broadcasted_iota(jnp.int32, (E, E), 0)
    ec = jax.lax.broadcasted_iota(jnp.int32, (E, E), 1)
    incl = (er <= ec).astype(_bf)
    end = jax.lax.dot_general(nch.astype(_bf), incl, (((1,), (0,)), ((), ())),
                              preferred_element_type=jnp.float32)
    base_rows = (end - nch) * CH

    sel1 = jnp.sum(jnp.where(iota == i1, base_rows, 0.0), axis=1, keepdims=True)
    sel2b = jnp.sum(jnp.where(iota == i2, base_rows, 0.0), axis=1, keepdims=True)
    sel2c = jnp.sum(jnp.where(iota == i2, cnt1, 0.0), axis=1, keepdims=True)
    d_ref[...] = jnp.concatenate(
        [(sel1 + r1).astype(jnp.int32),
         (sel2b + sel2c + r2).astype(jnp.int32)], axis=0)

    total = jnp.sum(nch)
    cidx = jax.lax.broadcasted_iota(jnp.int32, (1, NCHUNK), 1).astype(jnp.float32)
    cv_ref[...] = (cidx < total).astype(jnp.int32)
    cmin = jnp.minimum(cidx, total - 1.0)
    endb = jnp.broadcast_to(end.reshape(E, 1), (E, NCHUNK))
    ce_ref[...] = jnp.sum((endb <= cmin).astype(jnp.int32), axis=0, keepdims=True)


def _router_meta(x, noise_w, noise_b):
    return pl.pallas_call(
        _router_meta_body,
        grid=(1,),
        in_specs=[pl.BlockSpec((S, D), lambda i: (0, 0)),
                  pl.BlockSpec((E, D), lambda i: (0, 0)),
                  pl.BlockSpec((E,), lambda i: (0,))],
        out_specs=[pl.BlockSpec((2 * S, 1), lambda i: (0, 0)),
                   pl.BlockSpec((S, 1), lambda i: (0, 0)),
                   pl.BlockSpec((S, 1), lambda i: (0, 0)),
                   pl.BlockSpec((1, NCHUNK), lambda i: (0, 0)),
                   pl.BlockSpec((1, NCHUNK), lambda i: (0, 0))],
        out_shape=[jax.ShapeDtypeStruct((2 * S, 1), jnp.int32),
                   jax.ShapeDtypeStruct((S, 1), jnp.float32),
                   jax.ShapeDtypeStruct((S, 1), jnp.float32),
                   jax.ShapeDtypeStruct((1, NCHUNK), jnp.int32),
                   jax.ShapeDtypeStruct((1, NCHUNK), jnp.int32)],
    )(x, noise_w, noise_b)


def _sc_scatter_rows(x, dest):
    import functools as _ft
    from jax.experimental.pallas import tpu_sc as plsc
    info = plsc.get_sparse_core_info()
    NC, NS = info.num_cores, info.num_subcores
    NW = NC * NS
    PPW = (2 * S) // NW
    mesh = plsc.VectorSubcoreMesh(core_axis_name="c", subcore_axis_name="s")

    @_ft.partial(
        pl.kernel, mesh=mesh,
        out_type=jax.ShapeDtypeStruct((LG, D), jnp.float32),
        scratch_types=[pltpu.VMEM((PPW,), jnp.int32),
                       pltpu.VMEM((PPW, D), jnp.float32),
                       pltpu.SemaphoreType.DMA],
    )
    def k(x_hbm, dest_hbm, xg_hbm, idx_v, rows_v, sem):
        wid = jax.lax.axis_index("s") * NC + jax.lax.axis_index("c")
        base = wid * PPW
        tbase = jax.lax.rem(base, S)
        pltpu.sync_copy(dest_hbm.at[pl.ds(base, PPW)], idx_v)
        pltpu.sync_copy(x_hbm.at[pl.ds(tbase, PPW)], rows_v)
        pltpu.async_copy(rows_v, xg_hbm.at[idx_v], sem).wait()

    return k(x, dest)


def _sc_gather_rows(eo, dest):
    import functools as _ft
    from jax.experimental.pallas import tpu_sc as plsc
    info = plsc.get_sparse_core_info()
    NC, NS = info.num_cores, info.num_subcores
    NW = NC * NS
    PPW = (2 * S) // NW
    mesh = plsc.VectorSubcoreMesh(core_axis_name="c", subcore_axis_name="s")

    @_ft.partial(
        pl.kernel, mesh=mesh,
        out_type=jax.ShapeDtypeStruct((2 * S, D), jnp.float32),
        scratch_types=[pltpu.VMEM((PPW,), jnp.int32),
                       pltpu.VMEM((PPW, D), jnp.float32),
                       pltpu.SemaphoreType.DMA],
    )
    def k(eo_hbm, dest_hbm, out_hbm, idx_v, rows_v, sem):
        wid = jax.lax.axis_index("s") * NC + jax.lax.axis_index("c")
        base = wid * PPW
        pltpu.sync_copy(dest_hbm.at[pl.ds(base, PPW)], idx_v)
        pltpu.async_copy(eo_hbm.at[idx_v], rows_v, sem).wait()
        pltpu.sync_copy(rows_v, out_hbm.at[pl.ds(base, PPW)])

    return k(eo, dest)


def _ffn_body(ce_ref, cv_ref, xg_ref, w1_ref, b1_ref, w2_ref, b2_ref, eo_ref):
    c = pl.program_id(0)

    @pl.when(cv_ref[c] == 1)
    def _():
        h = jnp.maximum(_dotT(xg_ref[...], w1_ref[0]) + b1_ref[0], 0.0)
        eo_ref[...] = _dotT(h, w2_ref[0]) + b2_ref[0]


def _ffn_grouped(xg, w1, b1, w2, b2, ce, cv):
    grid_spec = pltpu.PrefetchScalarGridSpec(
        num_scalar_prefetch=2,
        grid=(NCHUNK,),
        in_specs=[
            pl.BlockSpec((CH, D), lambda c, ce, cv: (c, 0)),
            pl.BlockSpec((1, FFN, D), lambda c, ce, cv: (ce[c], 0, 0)),
            pl.BlockSpec((1, 1, FFN), lambda c, ce, cv: (ce[c], 0, 0)),
            pl.BlockSpec((1, D, FFN), lambda c, ce, cv: (ce[c], 0, 0)),
            pl.BlockSpec((1, 1, D), lambda c, ce, cv: (ce[c], 0, 0)),
        ],
        out_specs=pl.BlockSpec((CH, D), lambda c, ce, cv: (c, 0)),
    )
    return pl.pallas_call(
        _ffn_body,
        grid_spec=grid_spec,
        out_shape=jax.ShapeDtypeStruct((LG, D), jnp.float32),
    )(ce, cv, xg, w1, b1.reshape(E, 1, FFN), w2, b2.reshape(E, 1, D))


def _combine_body(x_ref, m1_ref, m2_ref, g1_ref, g2_ref, g_ref, b_ref, y_ref):
    moe = m1_ref[...] * g1_ref[...] + m2_ref[...] * g2_ref[...]
    y_ref[...] = _ln_rows(x_ref[...] + moe, g_ref[...], b_ref[...])


def _combine_ln(x, gathered, g1, g2, ln_g, ln_b):
    RB = 256
    row = pl.BlockSpec((RB, D), lambda i: (i, 0))
    row2 = pl.BlockSpec((RB, D), lambda i: (i + S // RB, 0))
    col = pl.BlockSpec((RB, 1), lambda i: (i, 0))
    return pl.pallas_call(
        _combine_body,
        grid=(S // RB,),
        in_specs=[row, row, row2, col, col,
                  pl.BlockSpec((D,), lambda i: (0,)),
                  pl.BlockSpec((D,), lambda i: (0,))],
        out_specs=row,
        out_shape=jax.ShapeDtypeStruct((S, D), jnp.float32),
    )(x, gathered, gathered, g1, g2, ln_g, ln_b)


def kernel(tgt, memory, sa_wqkv, sa_bqkv, sa_wo, sa_bo, ma_wqkv, ma_bqkv,
           ma_wo, ma_bo, router_w, router_b, noise_w, noise_b, w1, b1, w2, b2,
           ln1_g, ln1_b, ln2_g, ln2_b, ln3_g, ln3_b):
    x0 = tgt.reshape(S, D)
    mem = memory.reshape(S, D)
    x1 = _mha_block(x0, x0, sa_wqkv, sa_bqkv, sa_wo, sa_bo, x0, ln1_g, ln1_b)
    x2 = _mha_block(x1, mem, ma_wqkv, ma_bqkv, ma_wo, ma_bo, x1, ln2_g, ln2_b)
    dall, g1, g2, ce, cv = _router_meta(x2, noise_w, noise_b)
    dest = dall.reshape(2 * S)
    xg = _sc_scatter_rows(x2, dest)
    eo = _ffn_grouped(xg, w1, b1, w2, b2, ce.reshape(NCHUNK), cv.reshape(NCHUNK))
    gathered = _sc_gather_rows(eo, dest)
    y = _combine_ln(x2, gathered, g1, g2, ln3_g, ln3_b)
    return y.reshape(S, 1, D)

# --- scband reference (transcript-rebuilt; emitter-appended) ---
"""Pipeline reference for scband-mo-edecoder-layer-34711925686933 (READ-ONLY COPY).

The authoritative reference and input builder live on the scoring server;
editing this copy changes nothing except your own understanding.
"""

import jax, jax.numpy as jnp
import numpy as np

S, B, D, H, E, K, FFN = 2048, 1, 768, 12, 8, 2, 2048


def setup_inputs(seed: int = 0):
    key = jax.random.key(seed)
    ks = jax.random.split(key, 12)

    def p(k, shape):
        return jax.random.normal(k, shape, dtype=jnp.float32) * 0.02

    return {
        "tgt": jax.random.normal(ks[0], (S, B, D), dtype=jnp.float32),
        "memory": jax.random.normal(ks[1], (S, B, D), dtype=jnp.float32),
        "sa_wqkv": p(ks[2], (3 * D, D)), "sa_bqkv": jnp.zeros((3 * D,), jnp.float32),
        "sa_wo": p(ks[3], (D, D)), "sa_bo": jnp.zeros((D,), jnp.float32),
        "ma_wqkv": p(ks[4], (3 * D, D)), "ma_bqkv": jnp.zeros((3 * D,), jnp.float32),
        "ma_wo": p(ks[5], (D, D)), "ma_bo": jnp.zeros((D,), jnp.float32),
        "router_w": p(ks[6], (E, D)), "router_b": jnp.zeros((E,), jnp.float32),
        "noise_w": p(ks[7], (E, D)), "noise_b": jnp.zeros((E,), jnp.float32),
        "w1": p(ks[8], (E, FFN, D)), "b1": jnp.zeros((E, FFN), jnp.float32),
        "w2": p(ks[9], (E, D, FFN)), "b2": jnp.zeros((E, D), jnp.float32),
        "ln1_g": jnp.ones((D,), jnp.float32), "ln1_b": jnp.zeros((D,), jnp.float32),
        "ln2_g": jnp.ones((D,), jnp.float32), "ln2_b": jnp.zeros((D,), jnp.float32),
        "ln3_g": jnp.ones((D,), jnp.float32), "ln3_b": jnp.zeros((D,), jnp.float32),
    }


def _ln(x, g, b):
    m = x.mean(-1, keepdims=True)
    v = ((x - m) ** 2).mean(-1, keepdims=True)
    return (x - m) / jnp.sqrt(v + 1e-5) * g + b


def _mha(q_in, k_in, v_in, wqkv, bqkv, wo, bo):
    Sq, Bq, Dm = q_in.shape
    Sk = k_in.shape[0]
    dh = Dm // H
    q = q_in @ wqkv[:Dm].T + bqkv[:Dm]
    k = k_in @ wqkv[Dm:2 * Dm].T + bqkv[Dm:2 * Dm]
    v = v_in @ wqkv[2 * Dm:].T + bqkv[2 * Dm:]
    q = q.reshape(Sq, Bq, H, dh).transpose(1, 2, 0, 3)
    k = k.reshape(Sk, Bq, H, dh).transpose(1, 2, 0, 3)
    v = v.reshape(Sk, Bq, H, dh).transpose(1, 2, 0, 3)
    a = jax.nn.softmax(jnp.einsum('bhqd,bhkd->bhqk', q, k) / jnp.sqrt(float(dh)), axis=-1)
    o = jnp.einsum('bhqk,bhkd->bhqd', a, v).transpose(2, 0, 1, 3).reshape(Sq, Bq, Dm)
    return o @ wo.T + bo


def _moe(x, router_w, router_b, noise_w, noise_b, w1, b1, w2, b2):
    # NOTE: in the torch module, topkroute_linear logits only feed noisy_logits,
    # which is never consumed downstream (topk + scatter both use noise_logits).
    logits = x @ router_w.T + router_b  # dead computation, kept for faithfulness
    noise_logits = x @ noise_w.T + noise_b
    topv, topi = jax.lax.top_k(noise_logits, K)
    mask = jax.nn.one_hot(topi, E, dtype=jnp.float32).sum(-2) > 0
    sparse = jnp.where(mask, noise_logits, -jnp.inf)
    gating = jax.nn.softmax(sparse, axis=-1)
    flat = x.reshape(-1, x.shape[-1])
    gflat = gating.reshape(-1, E)
    out = jnp.zeros_like(flat)
    for i in range(E):
        h = jax.nn.relu(flat @ w1[i].T + b1[i])
        eo = h @ w2[i].T + b2[i]
        out = out + eo * gflat[:, i:i + 1]
    return out.reshape(x.shape)


def _layer(tgt, memory, sa_wqkv, sa_bqkv, sa_wo, sa_bo, ma_wqkv, ma_bqkv, ma_wo, ma_bo, router_w, router_b, noise_w, noise_b, w1, b1, w2, b2, ln1_g, ln1_b, ln2_g, ln2_b, ln3_g, ln3_b):
    x = _ln(tgt + _mha(tgt, tgt, tgt, sa_wqkv, sa_bqkv, sa_wo, sa_bo), ln1_g, ln1_b)
    x = _ln(x + _mha(x, memory, memory, ma_wqkv, ma_bqkv, ma_wo, ma_bo), ln2_g, ln2_b)
    x = _ln(x + _moe(x, router_w, router_b, noise_w, noise_b, w1, b1, w2, b2), ln3_g, ln3_b)
    return x


def reference(tgt, memory, sa_wqkv, sa_bqkv, sa_wo, sa_bo, ma_wqkv, ma_bqkv, ma_wo, ma_bo, router_w, router_b, noise_w, noise_b, w1, b1, w2, b2, ln1_g, ln1_b, ln2_g, ln2_b, ln3_g, ln3_b):
    return _layer(tgt, memory, sa_wqkv, sa_bqkv, sa_wo, sa_bo, ma_wqkv, ma_bqkv, ma_wo, ma_bo, router_w, router_b, noise_w, noise_b, w1, b1, w2, b2, ln1_g, ln1_b, ln2_g, ln2_b, ln3_g, ln3_b)

if __name__ == "__main__":
    import jax
    _d = setup_inputs()
    print(jax.jit(kernel)(*tuple(_d.values())))

</pallas_src>

<mosaic_0001>
#map = affine_map<(d0, d1) -> (0, 0)>
#map1 = affine_map<(d0, d1) -> (0)>
module attributes {stable_mosaic.version = 14 : i64} {
  func.func @k(%arg0: i32, %arg1: i32, %arg2: memref<6144x768xf32, #tpu.memory_space<hbm>>, %arg3: memref<4096xi32, #tpu.memory_space<hbm>>, %arg4: memref<4096x768xf32, #tpu.memory_space<hbm>>, %arg5: memref<128xi32, #tpu.memory_space<vmem>>, %arg6: memref<128x768xf32, #tpu.memory_space<vmem>>, %arg7: memref<!tpu.dma_semaphore, #tpu.memory_space<semaphore_mem>>) attributes {dimension_semantics = [#tpu.dimension_semantics<core_parallel>, #tpu.dimension_semantics<subcore_parallel>], iteration_bounds = array<i64: 2, 16>, scalar_prefetch = 0 : i64, scratch_operands = 3 : i64, tpu.core_type = #tpu.core_type<sc_vector_subcore>, window_params = [{transform_indices = #map}, {transform_indices = #map1}, {transform_indices = #map}]} {
    %mul3A = arith.constant 2 : i32
    %mul3A_0 = arith.muli %arg1, %mul3A : i32
    %add3A = arith.addi %mul3A_0, %arg0 : i32
    %mul3A_1 = arith.constant 128 : i32
    %mul3A_2 = arith.muli %add3A, %mul3A_1 : i32
    "tpu.region"() ({
      %run_scoped3A = tpu.sem_alloc : memref<!tpu.dma_semaphore, #tpu.memory_space<semaphore_mem>>
      %dma_start3A_7 = tpu.memref_slice %arg3[%mul3A_2] : memref<4096xi32, #tpu.memory_space<hbm>> -> memref<128xi32, #tpu.memory_space<hbm>>
      %dma_start3A_8 = tpu.memref_slice %arg3[%mul3A_2] : memref<4096xi32, #tpu.memory_space<hbm>> -> memref<128xi32, #tpu.memory_space<hbm>>
      tpu.enqueue_dma source(%dma_start3A_8 : memref<128xi32, #tpu.memory_space<hbm>>) target(%arg5 : memref<128xi32, #tpu.memory_space<vmem>>) target_semaphore(%run_scoped3A : memref<!tpu.dma_semaphore, #tpu.memory_space<semaphore_mem>>)
      %dma_wait3A_9 = tpu.memref_slice %arg3[%mul3A_2] : memref<4096xi32, #tpu.memory_space<hbm>> -> memref<128xi32, #tpu.memory_space<hbm>>
      %dma_wait3A_10 = tpu.memref_slice %arg3[%mul3A_2] : memref<4096xi32, #tpu.memory_space<hbm>> -> memref<128xi32, #tpu.memory_space<hbm>>
      tpu.wait_dma2 semaphore(%run_scoped3A : memref<!tpu.dma_semaphore, #tpu.memory_space<semaphore_mem>>) src(%dma_wait3A_10 : memref<128xi32, #tpu.memory_space<hbm>>) dst(%arg5 : memref<128xi32, #tpu.memory_space<vmem>>)
      tpu.yield
    }) : () -> ()
    %dma_start3A = arith.constant 0 : i32
    %dma_start3A_3 = arith.constant 0 : i32
    %dma_start3A_4 = tpu.memref_slice %arg2[%dma_start3A, %dma_start3A_3] : memref<6144x768xf32, #tpu.memory_space<hbm>> -> memref<6144x768xf32, #tpu.memory_space<hbm>>
    tpu.enqueue_indirect_dma source(%dma_start3A_4 : memref<6144x768xf32, #tpu.memory_space<hbm>>) target(%arg6 : memref<128x768xf32, #tpu.memory_space<vmem>>) offsets(%arg5 : memref<128xi32, #tpu.memory_space<vmem>>) semaphore(%arg7 : memref<!tpu.dma_semaphore, #tpu.memory_space<semaphore_mem>>)
    %dma_wait3A = arith.constant 0 : i32
    %dma_wait3A_5 = arith.constant 0 : i32
    %dma_wait3A_6 = tpu.memref_slice %arg2[%dma_wait3A, %dma_wait3A_5] : memref<6144x768xf32, #tpu.memory_space<hbm>> -> memref<6144x768xf32, #tpu.memory_space<hbm>>
    tpu.wait_indirect_dma semaphore(%arg7 : memref<!tpu.dma_semaphore, #tpu.memory_space<semaphore_mem>>) src(%dma_wait3A_6 : memref<6144x768xf32, #tpu.memory_space<hbm>>) dst(%arg6 : memref<128x768xf32, #tpu.memory_space<vmem>>)
    "tpu.region"() ({
      %run_scoped3A = tpu.sem_alloc : memref<!tpu.dma_semaphore, #tpu.memory_space<semaphore_mem>>
      %dma_start3A_7 = arith.constant 0 : i32
      %dma_start3A_8 = tpu.memref_slice %arg4[%mul3A_2, %dma_start3A_7] : memref<4096x768xf32, #tpu.memory_space<hbm>> -> memref<128x768xf32, #tpu.memory_space<hbm>>
      %dma_start3A_9 = arith.constant 0 : i32
      %dma_start3A_10 = tpu.memref_slice %arg4[%mul3A_2, %dma_start3A_9] : memref<4096x768xf32, #tpu.memory_space<hbm>> -> memref<128x768xf32, #tpu.memory_space<hbm>>
      tpu.enqueue_dma source(%arg6 : memref<128x768xf32, #tpu.memory_space<vmem>>) target(%dma_start3A_10 : memref<128x768xf32, #tpu.memory_space<hbm>>) target_semaphore(%run_scoped3A : memref<!tpu.dma_semaphore, #tpu.memory_space<semaphore_mem>>)
      %dma_wait3A_11 = arith.constant 0 : i32
      %dma_wait3A_12 = tpu.memref_slice %arg4[%mul3A_2, %dma_wait3A_11] : memref<4096x768xf32, #tpu.memory_space<hbm>> -> memref<128x768xf32, #tpu.memory_space<hbm>>
      %dma_wait3A_13 = arith.constant 0 : i32
      %dma_wait3A_14 = tpu.memref_slice %arg4[%mul3A_2, %dma_wait3A_13] : memref<4096x768xf32, #tpu.memory_space<hbm>> -> memref<128x768xf32, #tpu.memory_space<hbm>>
      tpu.wait_dma2 semaphore(%run_scoped3A : memref<!tpu.dma_semaphore, #tpu.memory_space<semaphore_mem>>) src(%arg6 : memref<128x768xf32, #tpu.memory_space<vmem>>) dst(%dma_wait3A_14 : memref<128x768xf32, #tpu.memory_space<hbm>>)
      tpu.yield
    }) : () -> ()
    return
  }
}

#map = affine_map<(d0, d1) -> (0, 0)>
#map1 = affine_map<(d0, d1) -> (0)>
module attributes {stable_mosaic.version = 14 : i64} {
  func.func @k(%arg0: i32, %arg1: i32, %arg2: memref<2048x768xf32, #tpu.memory_space<hbm>>, %arg3: memref<4096xi32, #tpu.memory_space<hbm>>, %arg4: memref<6144x768xf32, #tpu.memory_space<hbm>>, %arg5: memref<128xi32, #tpu.memory_space<vmem>>, %arg6: memref<128x768xf32, #tpu.memory_space<vmem>>, %arg7: memref<!tpu.dma_semaphore, #tpu.memory_space<semaphore_mem>>) attributes {dimension_semantics = [#tpu.dimension_semantics<core_parallel>, #tpu.dimension_semantics<subcore_parallel>], iteration_bounds = array<i64: 2, 16>, scalar_prefetch = 0 : i64, scratch_operands = 3 : i64, tpu.core_type = #tpu.core_type<sc_vector_subcore>, window_params = [{transform_indices = #map}, {transform_indices = #map1}, {transform_indices = #map}]} {
    %mul3A = arith.constant 2 : i32
    %mul3A_0 = arith.muli %arg1, %mul3A : i32
    %add3A = arith.addi %mul3A_0, %arg0 : i32
    %mul3A_1 = arith.constant 128 : i32
    %mul3A_2 = arith.muli %add3A, %mul3A_1 : i32
    %rem3A = arith.constant 2048 : i32
    %rem3A_3 = arith.remsi %mul3A_2, %rem3A : i32
    "tpu.region"() ({
      %run_scoped3A = tpu.sem_alloc : memref<!tpu.dma_semaphore, #tpu.memory_space<semaphore_mem>>
      %dma_start3A_8 = tpu.memref_slice %arg3[%mul3A_2] : memref<4096xi32, #tpu.memory_space<hbm>> -> memref<128xi32, #tpu.memory_space<hbm>>
      %dma_start3A_9 = tpu.memref_slice %arg3[%mul3A_2] : memref<4096xi32, #tpu.memory_space<hbm>> -> memref<128xi32, #tpu.memory_space<hbm>>
      tpu.enqueue_dma source(%dma_start3A_9 : memref<128xi32, #tpu.memory_space<hbm>>) target(%arg5 : memref<128xi32, #tpu.memory_space<vmem>>) target_semaphore(%run_scoped3A : memref<!tpu.dma_semaphore, #tpu.memory_space<semaphore_mem>>)
      %dma_wait3A_10 = tpu.memref_slice %arg3[%mul3A_2] : memref<4096xi32, #tpu.memory_space<hbm>> -> memref<128xi32, #tpu.memory_space<hbm>>
      %dma_wait3A_11 = tpu.memref_slice %arg3[%mul3A_2] : memref<4096xi32, #tpu.memory_space<hbm>> -> memref<128xi32, #tpu.memory_space<hbm>>
      tpu.wait_dma2 semaphore(%run_scoped3A : memref<!tpu.dma_semaphore, #tpu.memory_space<semaphore_mem>>) src(%dma_wait3A_11 : memref<128xi32, #tpu.memory_space<hbm>>) dst(%arg5 : memref<128xi32, #tpu.memory_space<vmem>>)
      tpu.yield
    }) : () -> ()
    "tpu.region"() ({
      %run_scoped3A = tpu.sem_alloc : memref<!tpu.dma_semaphore, #tpu.memory_space<semaphore_mem>>
      %dma_start3A_8 = arith.constant 0 : i32
      %dma_start3A_9 = tpu.memref_slice %arg2[%rem3A_3, %dma_start3A_8] : memref<2048x768xf32, #tpu.memory_space<hbm>> -> memref<128x768xf32, #tpu.memory_space<hbm>>
      %dma_start3A_10 = arith.constant 0 : i32
      %dma_start3A_11 = tpu.memref_slice %arg2[%rem3A_3, %dma_start3A_10] : memref<2048x768xf32, #tpu.memory_space<hbm>> -> memref<128x768xf32, #tpu.memory_space<hbm>>
      tpu.enqueue_dma source(%dma_start3A_11 : memref<128x768xf32, #tpu.memory_space<hbm>>) target(%arg6 : memref<128x768xf32, #tpu.memory_space<vmem>>) target_semaphore(%run_scoped3A : memref<!tpu.dma_semaphore, #tpu.memory_space<semaphore_mem>>)
      %dma_wait3A_12 = arith.constant 0 : i32
      %dma_wait3A_13 = tpu.memref_slice %arg2[%rem3A_3, %dma_wait3A_12] : memref<2048x768xf32, #tpu.memory_space<hbm>> -> memref<128x768xf32, #tpu.memory_space<hbm>>
      %dma_wait3A_14 = arith.constant 0 : i32
      %dma_wait3A_15 = tpu.memref_slice %arg2[%rem3A_3, %dma_wait3A_14] : memref<2048x768xf32, #tpu.memory_space<hbm>> -> memref<128x768xf32, #tpu.memory_space<hbm>>
      tpu.wait_dma2 semaphore(%run_scoped3A : memref<!tpu.dma_semaphore, #tpu.memory_space<semaphore_mem>>) src(%dma_wait3A_15 : memref<128x768xf32, #tpu.memory_space<hbm>>) dst(%arg6 : memref<128x768xf32, #tpu.memory_space<vmem>>)
      tpu.yield
    }) : () -> ()
    %dma_start3A = arith.constant 0 : i32
    %dma_start3A_4 = arith.constant 0 : i32
    %dma_start3A_5 = tpu.memref_slice %arg4[%dma_start3A, %dma_start3A_4] : memref<6144x768xf32, #tpu.memory_space<hbm>> -> memref<6144x768xf32, #tpu.memory_space<hbm>>
    tpu.enqueue_indirect_dma source(%arg6 : memref<128x768xf32, #tpu.memory_space<vmem>>) target(%dma_start3A_5 : memref<6144x768xf32, #tpu.memory_space<hbm>>) offsets(%arg5 : memref<128xi32, #tpu.memory_space<vmem>>) semaphore(%arg7 : memref<!tpu.dma_semaphore, #tpu.memory_space<semaphore_mem>>)
    %dma_wait3A = arith.constant 0 : i32
    %dma_wait3A_6 = arith.constant 0 : i32
    %dma_wait3A_7 = tpu.memref_slice %arg4[%dma_wait3A, %dma_wait3A_6] : memref<6144x768xf32, #tpu.memory_space<hbm>> -> memref<6144x768xf32, #tpu.memory_space<hbm>>
    tpu.wait_indirect_dma semaphore(%arg7 : memref<!tpu.dma_semaphore, #tpu.memory_space<semaphore_mem>>) src(%arg6 : memref<128x768xf32, #tpu.memory_space<vmem>>) dst(%dma_wait3A_7 : memref<6144x768xf32, #tpu.memory_space<hbm>>)
    return
  }
}

module attributes {stable_mosaic.version = 14 : i64} {
  func.func @_qkv_body(%arg0: i32, %arg1: memref<256x768xf32, #tpu.memory_space<vmem>>, %arg2: memref<256x768xf32, #tpu.memory_space<vmem>>, %arg3: memref<768x768xf32, #tpu.memory_space<vmem>>, %arg4: memref<768x768xf32, #tpu.memory_space<vmem>>, %arg5: memref<768x768xf32, #tpu.memory_space<vmem>>, %arg6: memref<768xf32, #tpu.memory_space<vmem>>, %arg7: memref<768xf32, #tpu.memory_space<vmem>>, %arg8: memref<768xf32, #tpu.memory_space<vmem>>, %arg9: memref<256x768xbf16, #tpu.memory_space<vmem>>, %arg10: memref<256x768xbf16, #tpu.memory_space<vmem>>, %arg11: memref<256x768xbf16, #tpu.memory_space<vmem>>) attributes {dimension_semantics = [#tpu.dimension_semantics<arbitrary>], iteration_bounds = array<i64: 8>, scalar_prefetch = 0 : i64, scratch_operands = 0 : i64, tpu.core_type = #tpu.core_type<tc>, window_params = [{transform_indices = @transform_0, window_bounds = array<i64: 256, 768>}, {transform_indices = @transform_1, window_bounds = array<i64: 256, 768>}, {pipeline_mode = #tpu.pipeline_mode<synchronous>, transform_indices = @transform_2, window_bounds = array<i64: 768, 768>}, {pipeline_mode = #tpu.pipeline_mode<synchronous>, transform_indices = @transform_3, window_bounds = array<i64: 768, 768>}, {pipeline_mode = #tpu.pipeline_mode<synchronous>, transform_indices = @transform_4, window_bounds = array<i64: 768, 768>}, {pipeline_mode = #tpu.pipeline_mode<synchronous>, transform_indices = @transform_5, window_bounds = array<i64: 768>}, {pipeline_mode = #tpu.pipeline_mode<synchronous>, transform_indices = @transform_6, window_bounds = array<i64: 768>}, {pipeline_mode = #tpu.pipeline_mode<synchronous>, transform_indices = @transform_7, window_bounds = array<i64: 768>}, {transform_indices = @transform_8, window_bounds = array<i64: 256, 768>}, {transform_indices = @transform_9, window_bounds = array<i64: 256, 768>}, {transform_indices = @transform_10, window_bounds = array<i64: 256, 768>}]} {
    %get3A = arith.constant 0 : index
    %get3A_0 = arith.constant 0 : index
    %get3A_1 = vector.load %arg1[%get3A, %get3A_0] : memref<256x768xf32, #tpu.memory_space<vmem>>, vector<256x768xf32>
    %get3A_2 = arith.constant 0 : index
    %get3A_3 = arith.constant 0 : index
    %get3A_4 = vector.load %arg3[%get3A_2, %get3A_3] : memref<768x768xf32, #tpu.memory_space<vmem>>, vector<768x768xf32>
    %convert_element_type3A = arith.truncf %get3A_1 : vector<256x768xf32> to vector<256x768xbf16>
    %convert_element_type3A_5 = arith.truncf %get3A_4 : vector<768x768xf32> to vector<768x768xbf16>
    %dot_general3A = arith.constant dense<0.000000e+00> : vector<256x768xf32>
    %dot_general3A_6 = tpu.matmul %convert_element_type3A, %convert_element_type3A_5, %dot_general3A {dimension_numbers = #tpu.dot_dimension_numbers<[1], [1], [0], [0], [0, 0, 1, 0], [], []>, transpose_lhs_hint = false} : vector<256x768xbf16>, vector<768x768xbf16>, vector<256x768xf32> -> vector<256x768xf32>
    %get3A_7 = arith.constant 0 : index
    %get3A_8 = vector.load %arg6[%get3A_7] : memref<768xf32, #tpu.memory_space<vmem>>, vector<768xf32>
    %broadcast_in_dim3A = vector.shape_cast %get3A_8 : vector<768xf32> to vector<1x768xf32>
    %add3A = vector.broadcast %broadcast_in_dim3A : vector<1x768xf32> to vector<256x768xf32>
    %add3A_9 = arith.addf %dot_general3A_6, %add3A : vector<256x768xf32>
    %convert_element_type3A_10 = arith.truncf %add3A_9 : vector<256x768xf32> to vector<256x768xbf16>
    %swap3A = arith.constant 0 : index
    %swap3A_11 = arith.constant 0 : index
    %swap3A_12 = vector.load %arg9[%swap3A, %swap3A_11] : memref<256x768xbf16, #tpu.memory_space<vmem>>, vector<256x768xbf16>
    tpu.vector_store %arg9[%swap3A, %swap3A_11], %convert_element_type3A_10 {strides = array<i32>} : memref<256x768xbf16, #tpu.memory_space<vmem>>, vector<256x768xbf16>,
    %get3A_13 = arith.constant 0 : index
    %get3A_14 = arith.constant 0 : index
    %get3A_15 = vector.load %arg2[%get3A_13, %get3A_14] : memref<256x768xf32, #tpu.memory_space<vmem>>, vector<256x768xf32>
    %get3A_16 = arith.constant 0 : index
    %get3A_17 = arith.constant 0 : index
    %get3A_18 = vector.load %arg4[%get3A_16, %get3A_17] : memref<768x768xf32, #tpu.memory_space<vmem>>, vector<768x768xf32>
    %convert_element_type3A_19 = arith.truncf %get3A_15 : vector<256x768xf32> to vector<256x768xbf16>
    %convert_element_type3A_20 = arith.truncf %get3A_18 : vector<768x768xf32> to vector<768x768xbf16>
    %dot_general3A_21 = arith.constant dense<0.000000e+00> : vector<256x768xf32>
    %dot_general3A_22 = tpu.matmul %convert_element_type3A_19, %convert_element_type3A_20, %dot_general3A_21 {dimension_numbers = #tpu.dot_dimension_numbers<[1], [1], [0], [0], [0, 0, 1, 0], [], []>, transpose_lhs_hint = false} : vector<256x768xbf16>, vector<768x768xbf16>, vector<256x768xf32> -> vector<256x768xf32>
    %get3A_23 = arith.constant 0 : index
    %get3A_24 = vector.load %arg7[%get3A_23] : memref<768xf32, #tpu.memory_space<vmem>>, vector<768xf32>
    %broadcast_in_dim3A_25 = vector.shape_cast %get3A_24 : vector<768xf32> to vector<1x768xf32>
    %add3A_26 = vector.broadcast %broadcast_in_dim3A_25 : vector<1x768xf32> to vector<256x768xf32>
    %add3A_27 = arith.addf %dot_general3A_22, %add3A_26 : vector<256x768xf32>
    %convert_element_type3A_28 = arith.truncf %add3A_27 : vector<256x768xf32> to vector<256x768xbf16>
    %swap3A_29 = arith.constant 0 : index
    %swap3A_30 = arith.constant 0 : index
    %swap3A_31 = vector.load %arg10[%swap3A_29, %swap3A_30] : memref<256x768xbf16, #tpu.memory_space<vmem>>, vector<256x768xbf16>
    tpu.vector_store %arg10[%swap3A_29, %swap3A_30], %convert_element_type3A_28 {strides = array<i32>} : memref<256x768xbf16, #tpu.memory_space<vmem>>, vector<256x768xbf16>,
    %get3A_32 = arith.constant 0 : index
    %get3A_33 = arith.constant 0 : index
    %get3A_34 = vector.load %arg2[%get3A_32, %get3A_33] : memref<256x768xf32, #tpu.memory_space<vmem>>, vector<256x768xf32>
    %get3A_35 = arith.constant 0 : index
    %get3A_36 = arith.constant 0 : index
    %get3A_37 = vector.load %arg5[%get3A_35, %get3A_36] : memref<768x768xf32, #tpu.memory_space<vmem>>, vector<768x768xf32>
    %convert_element_type3A_38 = arith.truncf %get3A_34 : vector<256x768xf32> to vector<256x768xbf16>
    %convert_element_type3A_39 = arith.truncf %get3A_37 : vector<768x768xf32> to vector<768x768xbf16>
    %dot_general3A_40 = arith.constant dense<0.000000e+00> : vector<256x768xf32>
    %dot_general3A_41 = tpu.matmul %convert_element_type3A_38, %convert_element_type3A_39, %dot_general3A_40 {dimension_numbers = #tpu.dot_dimension_numbers<[1], [1], [0], [0], [0, 0, 1, 0], [], []>, transpose_lhs_hint = false} : vector<256x768xbf16>, vector<768x768xbf16>, vector<256x768xf32> -> vector<256x768xf32>
    %get3A_42 = arith.constant 0 : index
    %get3A_43 = vector.load %arg8[%get3A_42] : memref<768xf32, #tpu.memory_space<vmem>>, vector<768xf32>
    %broadcast_in_dim3A_44 = vector.shape_cast %get3A_43 : vector<768xf32> to vector<1x768xf32>
    %add3A_45 = vector.broadcast %broadcast_in_dim3A_44 : vector<1x768xf32> to vector<256x768xf32>
    %add3A_46 = arith.addf %dot_general3A_41, %add3A_45 : vector<256x768xf32>
    %convert_element_type3A_47 = arith.truncf %add3A_46 : vector<256x768xf32> to vector<256x768xbf16>
    %swap3A_48 = arith.constant 0 : index
    %swap3A_49 = arith.constant 0 : index
    %swap3A_50 = vector.load %arg11[%swap3A_48, %swap3A_49] : memref<256x768xbf16, #tpu.memory_space<vmem>>, vector<256x768xbf16>
    tpu.vector_store %arg11[%swap3A_48, %swap3A_49], %convert_element_type3A_47 {strides = array<i32>} : memref<256x768xbf16, #tpu.memory_space<vmem>>, vector<256x768xbf16>,
    return
  }
  func.func @transform_0(%arg0: i32) -> (i32, i32) {
    %c0_i32 = arith.constant 0 : i32
    %c0_i32_0 = arith.constant 0 : i32
    return %arg0, %c0_i32 : i32, i32
  }
  func.func @transform_1(%arg0: i32) -> (i32, i32) {
    %c0_i32 = arith.constant 0 : i32
    %c0_i32_0 = arith.constant 0 : i32
    return %arg0, %c0_i32 : i32, i32
  }
  func.func @transform_2(%arg0: i32) -> (i32, i32) {
    %c0_i32 = arith.constant 0 : i32
    %c0_i32_0 = arith.constant 0 : i32
    %c0_i32_1 = arith.constant 0 : i32
    return %c0_i32, %c0_i32_0 : i32, i32
  }
  func.func @transform_3(%arg0: i32) -> (i32, i32) {
    %c0_i32 = arith.constant 0 : i32
    %c0_i32_0 = arith.constant 0 : i32
    %c0_i32_1 = arith.constant 0 : i32
    return %c0_i32, %c0_i32_0 : i32, i32
  }
  func.func @transform_4(%arg0: i32) -> (i32, i32) {
    %c0_i32 = arith.constant 0 : i32
    %c0_i32_0 = arith.constant 0 : i32
    %c0_i32_1 = arith.constant 0 : i32
    return %c0_i32, %c0_i32_0 : i32, i32
  }
  func.func @transform_5(%arg0: i32) -> i32 {
    %c0_i32 = arith.constant 0 : i32
    %c0_i32_0 = arith.constant 0 : i32
    return %c0_i32 : i32
  }
  func.func @transform_6(%arg0: i32) -> i32 {
    %c0_i32 = arith.constant 0 : i32
    %c0_i32_0 = arith.constant 0 : i32
    return %c0_i32 : i32
  }
  func.func @transform_7(%arg0: i32) -> i32 {
    %c0_i32 = arith.constant 0 : i32
    %c0_i32_0 = arith.constant 0 : i32
    return %c0_i32 : i32
  }
  func.func @transform_8(%arg0: i32) -> (i32, i32) {
    %c0_i32 = arith.constant 0 : i32
    %c0_i32_0 = arith.constant 0 : i32
    return %arg0, %c0_i32 : i32, i32
  }
  func.func @transform_9(%arg0: i32) -> (i32, i32) {
    %c0_i32 = arith.constant 0 : i32
    %c0_i32_0 = arith.constant 0 : i32
    return %arg0, %c0_i32 : i32, i32
  }
  func.func @transform_10(%arg0: i32) -> (i32, i32) {
    %c0_i32 = arith.constant 0 : i32
    %c0_i32_0 = arith.constant 0 : i32
    return %arg0, %c0_i32 : i32, i32
  }
}

module attributes {stable_mosaic.version = 14 : i64} {
  func.func @_attnproj_body(%arg0: i32, %arg1: i32, %arg2: memref<1024x128xbf16, #tpu.memory_space<vmem>>, %arg3: memref<2048x128xbf16, #tpu.memory_space<vmem>>, %arg4: memref<2048x128xbf16, #tpu.memory_space<vmem>>, %arg5: memref<768x128xf32, #tpu.memory_space<vmem>>, %arg6: memref<768xf32, #tpu.memory_space<vmem>>, %arg7: memref<1024x768xf32, #tpu.memory_space<vmem>>, %arg8: memref<768xf32, #tpu.memory_space<vmem>>, %arg9: memref<768xf32, #tpu.memory_space<vmem>>, %arg10: memref<1024x768xf32, #tpu.memory_space<vmem>>, %arg11: memref<1024x768xf32, #tpu.memory_space<vmem>>) attributes {dimension_semantics = [#tpu.dimension_semantics<arbitrary>, #tpu.dimension_semantics<arbitrary>], iteration_bounds = array<i64: 2, 6>, scalar_prefetch = 0 : i64, scratch_operands = 1 : i64, tpu.core_type = #tpu.core_type<tc>, window_params = [{transform_indices = @transform_0, window_bounds = array<i64: 1024, 128>}, {transform_indices = @transform_1, window_bounds = array<i64: 2048, 128>}, {transform_indices = @transform_2, window_bounds = array<i64: 2048, 128>}, {transform_indices = @transform_3, window_bounds = array<i64: 768, 128>}, {pipeline_mode = #tpu.pipeline_mode<synchronous>, transform_indices = @transform_4, window_bounds = array<i64: 768>}, {transform_indices = @transform_5, window_bounds = array<i64: 1024, 768>}, {pipeline_mode = #tpu.pipeline_mode<synchronous>, transform_indices = @transform_6, window_bounds = array<i64: 768>}, {pipeline_mode = #tpu.pipeline_mode<synchronous>, transform_indices = @transform_7, window_bounds = array<i64: 768>}, {transform_indices = @transform_8, window_bounds = array<i64: 1024, 768>}]} {
    %get3A = arith.constant 0 : index
    %get3A_0 = arith.constant 0 : index
    %get3A_1 = vector.load %arg2[%get3A, %get3A_0] : memref<1024x128xbf16, #tpu.memory_space<vmem>>, vector<1024x128xbf16>
    %get3A_2 = arith.constant 0 : index
    %get3A_3 = arith.constant 0 : index
    %get3A_4 = vector.load %arg3[%get3A_2, %get3A_3] : memref<2048x128xbf16, #tpu.memory_space<vmem>>, vector<2048x128xbf16>
    %get3A_5 = arith.constant 0 : index
    %get3A_6 = arith.constant 0 : index
    %get3A_7 = vector.load %arg4[%get3A_5, %get3A_6] : memref<2048x128xbf16, #tpu.memory_space<vmem>>, vector<2048x128xbf16>
    %slice3A = vector.extract_strided_slice %get3A_1 {offsets = [0, 0], sizes = [1024, 64], strides = [1, 1]} : vector<1024x128xbf16> to vector<1024x64xbf16>
    %slice3A_8 = vector.extract_strided_slice %get3A_4 {offsets = [0, 0], sizes = [2048, 64], strides = [1, 1]} : vector<2048x128xbf16> to vector<2048x64xbf16>
    %slice3A_9 = vector.extract_strided_slice %get3A_7 {offsets = [0, 0], sizes = [2048, 64], strides = [1, 1]} : vector<2048x128xbf16> to vector<2048x64xbf16>
    %dot_general3A = arith.constant dense<0.000000e+00> : vector<1024x2048xf32>
    %dot_general3A_10 = tpu.matmul %slice3A, %slice3A_8, %dot_general3A {dimension_numbers = #tpu.dot_dimension_numbers<[1], [1], [0], [0], [0, 0, 1, 0], [], []>, transpose_lhs_hint = false} : vector<1024x64xbf16>, vector<2048x64xbf16>, vector<1024x2048xf32> -> vector<1024x2048xf32>
    %reduce_max3A = arith.constant dense<0xFF800000> : vector<1024xf32>
    %reduce_max3A_11 = vector.multi_reduction <maximumf>, %dot_general3A_10, %reduce_max3A [1] : vector<1024x2048xf32> to vector<1024xf32>
    %broadcast_in_dim3A = vector.shape_cast %reduce_max3A_11 : vector<1024xf32> to vector<1024x1xf32>
    %sub3A = vector.broadcast %broadcast_in_dim3A : vector<1024x1xf32> to vector<1024x2048xf32>
    %sub3A_12 = arith.subf %dot_general3A_10, %sub3A : vector<1024x2048xf32>
    %mul3A = arith.constant 1.250000e-01 : f32
    %mul3A_13 = vector.broadcast %mul3A : f32 to vector<1024x2048xf32>
    %mul3A_14 = arith.mulf %sub3A_12, %mul3A_13 : vector<1024x2048xf32>
    %exp3A = math.exp %mul3A_14 : vector<1024x2048xf32>
    %reduce_sum3A = arith.constant dense<0.000000e+00> : vector<1024xf32>
    %reduce_sum3A_15 = vector.multi_reduction <add>, %exp3A, %reduce_sum3A [1] : vector<1024x2048xf32> to vector<1024xf32>
    %broadcast_in_dim3A_16 = vector.shape_cast %reduce_sum3A_15 : vector<1024xf32> to vector<1024x1xf32>
    %div3A = vector.broadcast %broadcast_in_dim3A_16 : vector<1024x1xf32> to vector<1024x2048xf32>
    %div3A_17 = arith.divf %exp3A, %div3A : vector<1024x2048xf32>
    %convert_element_type3A = arith.truncf %div3A_17 : vector<1024x2048xf32> to vector<1024x2048xbf16>
    %dot_general3A_18 = arith.constant dense<0.000000e+00> : vector<1024x64xf32>
    %dot_general3A_19 = tpu.matmul %convert_element_type3A, %slice3A_9, %dot_general3A_18 {dimension_numbers = #tpu.dot_dimension_numbers<[1], [0], [0], [1], [0, 0, 1, 1], [], []>, transpose_lhs_hint = false} : vector<1024x2048xbf16>, vector<2048x64xbf16>, vector<1024x64xf32> -> vector<1024x64xf32>
    %slice3A_20 = vector.extract_strided_slice %get3A_1 {offsets = [0, 64], sizes = [1024, 64], strides = [1, 1]} : vector<1024x128xbf16> to vector<1024x64xbf16>
    %slice3A_21 = vector.extract_strided_slice %get3A_4 {offsets = [0, 64], sizes = [2048, 64], strides = [1, 1]} : vector<2048x128xbf16> to vector<2048x64xbf16>
    %slice3A_22 = vector.extract_strided_slice %get3A_7 {offsets = [0, 64], sizes = [2048, 64], strides = [1, 1]} : vector<2048x128xbf16> to vector<2048x64xbf16>
    %dot_general3A_23 = arith.constant dense<0.000000e+00> : vector<1024x2048xf32>
    %dot_general3A_24 = tpu.matmul %slice3A_20, %slice3A_21, %dot_general3A_23 {dimension_numbers = #tpu.dot_dimension_numbers<[1], [1], [0], [0], [0, 0, 1, 0], [], []>, transpose_lhs_hint = false} : vector<1024x64xbf16>, vector<2048x64xbf16>, vector<1024x2048xf32> -> vector<1024x2048xf32>
    %reduce_max3A_25 = arith.constant dense<0xFF800000> : vector<1024xf32>
    %reduce_max3A_26 = vector.multi_reduction <maximumf>, %dot_general3A_24, %reduce_max3A_25 [1] : vector<1024x2048xf32> to vector<1024xf32>
    %broadcast_in_dim3A_27 = vector.shape_cast %reduce_max3A_26 : vector<1024xf32> to vector<1024x1xf32>
    %sub3A_28 = vector.broadcast %broadcast_in_dim3A_27 : vector<1024x1xf32> to vector<1024x2048xf32>
    %sub3A_29 = arith.subf %dot_general3A_24, %sub3A_28 : vector<1024x2048xf32>
    %mul3A_30 = arith.constant 1.250000e-01 : f32
    %mul3A_31 = vector.broadcast %mul3A_30 : f32 to vector<1024x2048xf32>
    %mul3A_32 = arith.mulf %sub3A_29, %mul3A_31 : vector<1024x2048xf32>
    %exp3A_33 = math.exp %mul3A_32 : vector<1024x2048xf32>
    %reduce_sum3A_34 = arith.constant dense<0.000000e+00> : vector<1024xf32>
    %reduce_sum3A_35 = vector.multi_reduction <add>, %exp3A_33, %reduce_sum3A_34 [1] : vector<1024x2048xf32> to vector<1024xf32>
    %broadcast_in_dim3A_36 = vector.shape_cast %reduce_sum3A_35 : vector<1024xf32> to vector<1024x1xf32>
    %div3A_37 = vector.broadcast %broadcast_in_dim3A_36 : vector<1024x1xf32> to vector<1024x2048xf32>
    %div3A_38 = arith.divf %exp3A_33, %div3A_37 : vector<1024x2048xf32>
    %convert_element_type3A_39 = arith.truncf %div3A_38 : vector<1024x2048xf32> to vector<1024x2048xbf16>
    %dot_general3A_40 = arith.constant dense<0.000000e+00> : vector<1024x64xf32>
    %dot_general3A_41 = tpu.matmul %convert_element_type3A_39, %slice3A_22, %dot_general3A_40 {dimension_numbers = #tpu.dot_dimension_numbers<[1], [0], [0], [1], [0, 0, 1, 1], [], []>, transpose_lhs_hint = false} : vector<1024x2048xbf16>, vector<2048x64xbf16>, vector<1024x64xf32> -> vector<1024x64xf32>
    %concatenate3A = tpu.concatenate %dot_general3A_19, %dot_general3A_41 in 1 : vector<1024x64xf32>, vector<1024x64xf32> -> vector<1024x128xf32>
    %convert_element_type3A_42 = arith.truncf %concatenate3A : vector<1024x128xf32> to vector<1024x128xbf16>
    %get3A_43 = arith.constant 0 : index
    %get3A_44 = arith.constant 0 : index
    %get3A_45 = vector.load %arg5[%get3A_43, %get3A_44] : memref<768x128xf32, #tpu.memory_space<vmem>>, vector<768x128xf32>
    %convert_element_type3A_46 = arith.truncf %get3A_45 : vector<768x128xf32> to vector<768x128xbf16>
    %dot_general3A_47 = arith.constant dense<0.000000e+00> : vector<1024x768xf32>
    %dot_general3A_48 = tpu.matmul %convert_element_type3A_42, %convert_element_type3A_46, %dot_general3A_47 {dimension_numbers = #tpu.dot_dimension_numbers<[1], [1], [0], [0], [0, 0, 1, 0], [], []>, transpose_lhs_hint = false} : vector<1024x128xbf16>, vector<768x128xbf16>, vector<1024x768xf32> -> vector<1024x768xf32>
    %eq3A = arith.constant 0 : i32
    %eq3A_49 = arith.cmpi eq, %arg1, %eq3A : i32
    %convert_element_type3A_50 = arith.extui %eq3A_49 : i1 to i32
    %cond3A = arith.constant 0 : i32
    %cond3A_51 = arith.cmpi ne, %convert_element_type3A_50, %cond3A : i32
    scf.if %cond3A_51 {
      %get3A_61 = arith.constant 0 : index
      %get3A_62 = arith.constant 0 : index
      %get3A_63 = vector.load %arg7[%get3A_61, %get3A_62] : memref<1024x768xf32, #tpu.memory_space<vmem>>, vector<1024x768xf32>
      %get3A_64 = arith.constant 0 : index
      %get3A_65 = vector.load %arg6[%get3A_64] : memref<768xf32, #tpu.memory_space<vmem>>, vector<768xf32>
      %broadcast_in_dim3A_66 = vector.shape_cast %get3A_65 : vector<768xf32> to vector<1x768xf32>
      %add3A = vector.broadcast %broadcast_in_dim3A_66 : vector<1x768xf32> to vector<1024x768xf32>
      %add3A_67 = arith.addf %dot_general3A_48, %add3A : vector<1024x768xf32>
      %add3A_68 = arith.addf %get3A_63, %add3A_67 : vector<1024x768xf32>
      %swap3A = arith.constant 0 : index
      %swap3A_69 = arith.constant 0 : index
      %swap3A_70 = vector.load %arg11[%swap3A, %swap3A_69] : memref<1024x768xf32, #tpu.memory_space<vmem>>, vector<1024x768xf32>
      tpu.vector_store %arg11[%swap3A, %swap3A_69], %add3A_68 {strides = array<i32>} : memref<1024x768xf32, #tpu.memory_space<vmem>>, vector<1024x768xf32>,
    } else {
    }
    %gt3A = arith.constant 0 : i32
    %gt3A_52 = arith.cmpi sgt, %arg1, %gt3A : i32
    %convert_element_type3A_53 = arith.extui %gt3A_52 : i1 to i32
    %cond3A_54 = arith.constant 0 : i32
    %cond3A_55 = arith.cmpi ne, %convert_element_type3A_53, %cond3A_54 : i32
    scf.if %cond3A_55 {
      %get3A_61 = arith.constant 0 : index
      %get3A_62 = arith.constant 0 : index
      %get3A_63 = vector.load %arg11[%get3A_61, %get3A_62] : memref<1024x768xf32, #tpu.memory_space<vmem>>, vector<1024x768xf32>
      %add3A = arith.addf %get3A_63, %dot_general3A_48 : vector<1024x768xf32>
      %swap3A = arith.constant 0 : index
      %swap3A_64 = arith.constant 0 : index
      %swap3A_65 = vector.load %arg11[%swap3A, %swap3A_64] : memref<1024x768xf32, #tpu.memory_space<vmem>>, vector<1024x768xf32>
      tpu.vector_store %arg11[%swap3A, %swap3A_64], %add3A {strides = array<i32>} : memref<1024x768xf32, #tpu.memory_space<vmem>>, vector<1024x768xf32>,
    } else {
    }
    %eq3A_56 = arith.constant 5 : i32
    %eq3A_57 = arith.cmpi eq, %arg1, %eq3A_56 : i32
    %convert_element_type3A_58 = arith.extui %eq3A_57 : i1 to i32
    %cond3A_59 = arith.constant 0 : i32
    %cond3A_60 = arith.cmpi ne, %convert_element_type3A_58, %cond3A_59 : i32
    scf.if %cond3A_60 {
      %get3A_61 = arith.constant 0 : index
      %get3A_62 = arith.constant 0 : index
      %get3A_63 = vector.load %arg11[%get3A_61, %get3A_62] : memref<1024x768xf32, #tpu.memory_space<vmem>>, vector<1024x768xf32>
      %get3A_64 = arith.constant 0 : index
      %get3A_65 = vector.load %arg8[%get3A_64] : memref<768xf32, #tpu.memory_space<vmem>>, vector<768xf32>
      %get3A_66 = arith.constant 0 : index
      %get3A_67 = vector.load %arg9[%get3A_66] : memref<768xf32, #tpu.memory_space<vmem>>, vector<768xf32>
      %reduce_sum3A_68 = arith.constant dense<0.000000e+00> : vector<1024xf32>
      %reduce_sum3A_69 = vector.multi_reduction <add>, %get3A_63, %reduce_sum3A_68 [1] : vector<1024x768xf32> to vector<1024xf32>
      %broadcast_in_dim3A_70 = vector.shape_cast %reduce_sum3A_69 : vector<1024xf32> to vector<1024x1xf32>
      %div3A_71 = arith.constant 7.680000e+02 : f32
      %div3A_72 = vector.broadcast %div3A_71 : f32 to vector<1024x1xf32>
      %div3A_73 = arith.divf %broadcast_in_dim3A_70, %div3A_72 : vector<1024x1xf32>
      %sub3A_74 = vector.broadcast %div3A_73 : vector<1024x1xf32> to vector<1024x768xf32>
      %sub3A_75 = arith.subf %get3A_63, %sub3A_74 : vector<1024x768xf32>
      %integer_pow3A = arith.mulf %sub3A_75, %sub3A_75 : vector<1024x768xf32>
      %reduce_sum3A_76 = arith.constant dense<0.000000e+00> : vector<1024xf32>
      %reduce_sum3A_77 = vector.multi_reduction <add>, %integer_pow3A, %reduce_sum3A_76 [1] : vector<1024x768xf32> to vector<1024xf32>
      %broadcast_in_dim3A_78 = vector.shape_cast %reduce_sum3A_77 : vector<1024xf32> to vector<1024x1xf32>
      %div3A_79 = arith.constant 7.680000e+02 : f32
      %div3A_80 = vector.broadcast %div3A_79 : f32 to vector<1024x1xf32>
      %div3A_81 = arith.divf %broadcast_in_dim3A_78, %div3A_80 : vector<1024x1xf32>
      %sub3A_82 = vector.broadcast %div3A_73 : vector<1024x1xf32> to vector<1024x768xf32>
      %sub3A_83 = arith.subf %get3A_63, %sub3A_82 : vector<1024x768xf32>
      %add3A = arith.constant 9.99999974E-6 : f32
      %add3A_84 = vector.broadcast %add3A : f32 to vector<1024x1xf32>
      %add3A_85 = arith.addf %div3A_81, %add3A_84 : vector<1024x1xf32>
      %sqrt3A = math.sqrt %add3A_85 : vector<1024x1xf32>
      %div3A_86 = vector.broadcast %sqrt3A : vector<1024x1xf32> to vector<1024x768xf32>
      %div3A_87 = arith.divf %sub3A_83, %div3A_86 : vector<1024x768xf32>
      %broadcast_in_dim3A_88 = vector.shape_cast %get3A_65 : vector<768xf32> to vector<1x768xf32>
      %mul3A_89 = vector.broadcast %broadcast_in_dim3A_88 : vector<1x768xf32> to vector<1024x768xf32>
      %mul3A_90 = arith.mulf %div3A_87, %mul3A_89 : vector<1024x768xf32>
      %broadcast_in_dim3A_91 = vector.shape_cast %get3A_67 : vector<768xf32> to vector<1x768xf32>
      %add3A_92 = vector.broadcast %broadcast_in_dim3A_91 : vector<1x768xf32> to vector<1024x768xf32>
      %add3A_93 = arith.addf %mul3A_90, %add3A_92 : vector<1024x768xf32>
      %swap3A = arith.constant 0 : index
      %swap3A_94 = arith.constant 0 : index
      %swap3A_95 = vector.load %arg10[%swap3A, %swap3A_94] : memref<1024x768xf32, #tpu.memory_space<vmem>>, vector<1024x768xf32>
      tpu.vector_store %arg10[%swap3A, %swap3A_94], %add3A_93 {strides = array<i32>} : memref<1024x768xf32, #tpu.memory_space<vmem>>, vector<1024x768xf32>,
    } else {
    }
    return
  }
  func.func @transform_0(%arg0: i32, %arg1: i32) -> (i32, i32) {
    %c0_i32 = arith.constant 0 : i32
    return %arg0, %arg1 : i32, i32
  }
  func.func @transform_1(%arg0: i32, %arg1: i32) -> (i32, i32) {
    %c0_i32 = arith.constant 0 : i32
    %c0_i32_0 = arith.constant 0 : i32
    return %c0_i32, %arg1 : i32, i32
  }
  func.func @transform_2(%arg0: i32, %arg1: i32) -> (i32, i32) {
    %c0_i32 = arith.constant 0 : i32
    %c0_i32_0 = arith.constant 0 : i32
    return %c0_i32, %arg1 : i32, i32
  }
  func.func @transform_3(%arg0: i32, %arg1: i32) -> (i32, i32) {
    %c0_i32 = arith.constant 0 : i32
    %c0_i32_0 = arith.constant 0 : i32
    return %c0_i32, %arg1 : i32, i32
  }
  func.func @transform_4(%arg0: i32, %arg1: i32) -> i32 {
    %c0_i32 = arith.constant 0 : i32
    %c0_i32_0 = arith.constant 0 : i32
    return %c0_i32 : i32
  }
  func.func @transform_5(%arg0: i32, %arg1: i32) -> (i32, i32) {
    %c0_i32 = arith.constant 0 : i32
    %c0_i32_0 = arith.constant 0 : i32
    return %arg0, %c0_i32 : i32, i32
  }
  func.func @transform_6(%arg0: i32, %arg1: i32) -> i32 {
    %c0_i32 = arith.constant 0 : i32
    %c0_i32_0 = arith.constant 0 : i32
    return %c0_i32 : i32
  }
  func.func @transform_7(%arg0: i32, %arg1: i32) -> i32 {
    %c0_i32 = arith.constant 0 : i32
    %c0_i32_0 = arith.constant 0 : i32
    return %c0_i32 : i32
  }
  func.func @transform_8(%arg0: i32, %arg1: i32) -> (i32, i32) {
    %c0_i32 = arith.constant 0 : i32
    %c0_i32_0 = arith.constant 0 : i32
    return %arg0, %c0_i32 : i32, i32
  }
}

module attributes {stable_mosaic.version = 14 : i64} {
  func.func @_qkv_body(%arg0: i32, %arg1: memref<256x768xf32, #tpu.memory_space<vmem>>, %arg2: memref<256x768xf32, #tpu.memory_space<vmem>>, %arg3: memref<768x768xf32, #tpu.memory_space<vmem>>, %arg4: memref<768x768xf32, #tpu.memory_space<vmem>>, %arg5: memref<768x768xf32, #tpu.memory_space<vmem>>, %arg6: memref<768xf32, #tpu.memory_space<vmem>>, %arg7: memref<768xf32, #tpu.memory_space<vmem>>, %arg8: memref<768xf32, #tpu.memory_space<vmem>>, %arg9: memref<256x768xbf16, #tpu.memory_space<vmem>>, %arg10: memref<256x768xbf16, #tpu.memory_space<vmem>>, %arg11: memref<256x768xbf16, #tpu.memory_space<vmem>>) attributes {dimension_semantics = [#tpu.dimension_semantics<arbitrary>], iteration_bounds = array<i64: 8>, scalar_prefetch = 0 : i64, scratch_operands = 0 : i64, tpu.core_type = #tpu.core_type<tc>, window_params = [{transform_indices = @transform_0, window_bounds = array<i64: 256, 768>}, {transform_indices = @transform_1, window_bounds = array<i64: 256, 768>}, {pipeline_mode = #tpu.pipeline_mode<synchronous>, transform_indices = @transform_2, window_bounds = array<i64: 768, 768>}, {pipeline_mode = #tpu.pipeline_mode<synchronous>, transform_indices = @transform_3, window_bounds = array<i64: 768, 768>}, {pipeline_mode = #tpu.pipeline_mode<synchronous>, transform_indices = @transform_4, window_bounds = array<i64: 768, 768>}, {pipeline_mode = #tpu.pipeline_mode<synchronous>, transform_indices = @transform_5, window_bounds = array<i64: 768>}, {pipeline_mode = #tpu.pipeline_mode<synchronous>, transform_indices = @transform_6, window_bounds = array<i64: 768>}, {pipeline_mode = #tpu.pipeline_mode<synchronous>, transform_indices = @transform_7, window_bounds = array<i64: 768>}, {transform_indices = @transform_8, window_bounds = array<i64: 256, 768>}, {transform_indices = @transform_9, window_bounds = array<i64: 256, 768>}, {transform_indices = @transform_10, window_bounds = array<i64: 256, 768>}]} {
    %get3A = arith.constant 0 : index
    %get3A_0 = arith.constant 0 : index
    %get3A_1 = vector.load %arg1[%get3A, %get3A_0] : memref<256x768xf32, #tpu.memory_space<vmem>>, vector<256x768xf32>
    %get3A_2 = arith.constant 0 : index
    %get3A_3 = arith.constant 0 : index
    %get3A_4 = vector.load %arg3[%get3A_2, %get3A_3] : memref<768x768xf32, #tpu.memory_space<vmem>>, vector<768x768xf32>
    %convert_element_type3A = arith.truncf %get3A_1 : vector<256x768xf32> to vector<256x768xbf16>
    %convert_element_type3A_5 = arith.truncf %get3A_4 : vector<768x768xf32> to vector<768x768xbf16>
    %dot_general3A = arith.constant dense<0.000000e+00> : vector<256x768xf32>
    %dot_general3A_6 = tpu.matmul %convert_element_type3A, %convert_element_type3A_5, %dot_general3A {dimension_numbers = #tpu.dot_dimension_numbers<[1], [1], [0], [0], [0, 0, 1, 0], [], []>, transpose_lhs_hint = false} : vector<256x768xbf16>, vector<768x768xbf16>, vector<256x768xf32> -> vector<256x768xf32>
    %get3A_7 = arith.constant 0 : index
    %get3A_8 = vector.load %arg6[%get3A_7] : memref<768xf32, #tpu.memory_space<vmem>>, vector<768xf32>
    %broadcast_in_dim3A = vector.shape_cast %get3A_8 : vector<768xf32> to vector<1x768xf32>
    %add3A = vector.broadcast %broadcast_in_dim3A : vector<1x768xf32> to vector<256x768xf32>
    %add3A_9 = arith.addf %dot_general3A_6, %add3A : vector<256x768xf32>
    %convert_element_type3A_10 = arith.truncf %add3A_9 : vector<256x768xf32> to vector<256x768xbf16>
    %swap3A = arith.constant 0 : index
    %swap3A_11 = arith.constant 0 : index
    %swap3A_12 = vector.load %arg9[%swap3A, %swap3A_11] : memref<256x768xbf16, #tpu.memory_space<vmem>>, vector<256x768xbf16>
    tpu.vector_store %arg9[%swap3A, %swap3A_11], %convert_element_type3A_10 {strides = array<i32>} : memref<256x768xbf16, #tpu.memory_space<vmem>>, vector<256x768xbf16>,
    %get3A_13 = arith.constant 0 : index
    %get3A_14 = arith.constant 0 : index
    %get3A_15 = vector.load %arg2[%get3A_13, %get3A_14] : memref<256x768xf32, #tpu.memory_space<vmem>>, vector<256x768xf32>
    %get3A_16 = arith.constant 0 : index
    %get3A_17 = arith.constant 0 : index
    %get3A_18 = vector.load %arg4[%get3A_16, %get3A_17] : memref<768x768xf32, #tpu.memory_space<vmem>>, vector<768x768xf32>
    %convert_element_type3A_19 = arith.truncf %get3A_15 : vector<256x768xf32> to vector<256x768xbf16>
    %convert_element_type3A_20 = arith.truncf %get3A_18 : vector<768x768xf32> to vector<768x768xbf16>
    %dot_general3A_21 = arith.constant dense<0.000000e+00> : vector<256x768xf32>
    %dot_general3A_22 = tpu.matmul %convert_element_type3A_19, %convert_element_type3A_20, %dot_general3A_21 {dimension_numbers = #tpu.dot_dimension_numbers<[1], [1], [0], [0], [0, 0, 1, 0], [], []>, transpose_lhs_hint = false} : vector<256x768xbf16>, vector<768x768xbf16>, vector<256x768xf32> -> vector<256x768xf32>
    %get3A_23 = arith.constant 0 : index
    %get3A_24 = vector.load %arg7[%get3A_23] : memref<768xf32, #tpu.memory_space<vmem>>, vector<768xf32>
    %broadcast_in_dim3A_25 = vector.shape_cast %get3A_24 : vector<768xf32> to vector<1x768xf32>
    %add3A_26 = vector.broadcast %broadcast_in_dim3A_25 : vector<1x768xf32> to vector<256x768xf32>
    %add3A_27 = arith.addf %dot_general3A_22, %add3A_26 : vector<256x768xf32>
    %convert_element_type3A_28 = arith.truncf %add3A_27 : vector<256x768xf32> to vector<256x768xbf16>
    %swap3A_29 = arith.constant 0 : index
    %swap3A_30 = arith.constant 0 : index
    %swap3A_31 = vector.load %arg10[%swap3A_29, %swap3A_30] : memref<256x768xbf16, #tpu.memory_space<vmem>>, vector<256x768xbf16>
    tpu.vector_store %arg10[%swap3A_29, %swap3A_30], %convert_element_type3A_28 {strides = array<i32>} : memref<256x768xbf16, #tpu.memory_space<vmem>>, vector<256x768xbf16>,
    %get3A_32 = arith.constant 0 : index
    %get3A_33 = arith.constant 0 : index
    %get3A_34 = vector.load %arg2[%get3A_32, %get3A_33] : memref<256x768xf32, #tpu.memory_space<vmem>>, vector<256x768xf32>
    %get3A_35 = arith.constant 0 : index
    %get3A_36 = arith.constant 0 : index
    %get3A_37 = vector.load %arg5[%get3A_35, %get3A_36] : memref<768x768xf32, #tpu.memory_space<vmem>>, vector<768x768xf32>
    %convert_element_type3A_38 = arith.truncf %get3A_34 : vector<256x768xf32> to vector<256x768xbf16>
    %convert_element_type3A_39 = arith.truncf %get3A_37 : vector<768x768xf32> to vector<768x768xbf16>
    %dot_general3A_40 = arith.constant dense<0.000000e+00> : vector<256x768xf32>
    %dot_general3A_41 = tpu.matmul %convert_element_type3A_38, %convert_element_type3A_39, %dot_general3A_40 {dimension_numbers = #tpu.dot_dimension_numbers<[1], [1], [0], [0], [0, 0, 1, 0], [], []>, transpose_lhs_hint = false} : vector<256x768xbf16>, vector<768x768xbf16>, vector<256x768xf32> -> vector<256x768xf32>
    %get3A_42 = arith.constant 0 : index
    %get3A_43 = vector.load %arg8[%get3A_42] : memref<768xf32, #tpu.memory_space<vmem>>, vector<768xf32>
    %broadcast_in_dim3A_44 = vector.shape_cast %get3A_43 : vector<768xf32> to vector<1x768xf32>
    %add3A_45 = vector.broadcast %broadcast_in_dim3A_44 : vector<1x768xf32> to vector<256x768xf32>
    %add3A_46 = arith.addf %dot_general3A_41, %add3A_45 : vector<256x768xf32>
    %convert_element_type3A_47 = arith.truncf %add3A_46 : vector<256x768xf32> to vector<256x768xbf16>
    %swap3A_48 = arith.constant 0 : index
    %swap3A_49 = arith.constant 0 : index
    %swap3A_50 = vector.load %arg11[%swap3A_48, %swap3A_49] : memref<256x768xbf16, #tpu.memory_space<vmem>>, vector<256x768xbf16>
    tpu.vector_store %arg11[%swap3A_48, %swap3A_49], %convert_element_type3A_47 {strides = array<i32>} : memref<256x768xbf16, #tpu.memory_space<vmem>>, vector<256x768xbf16>,
    return
  }
  func.func @transform_0(%arg0: i32) -> (i32, i32) {
    %c0_i32 = arith.constant 0 : i32
    %c0_i32_0 = arith.constant 0 : i32
    return %arg0, %c0_i32 : i32, i32
  }
  func.func @transform_1(%arg0: i32) -> (i32, i32) {
    %c0_i32 = arith.constant 0 : i32
    %c0_i32_0 = arith.constant 0 : i32
    return %arg0, %c0_i32 : i32, i32
  }
  func.func @transform_2(%arg0: i32) -> (i32, i32) {
    %c0_i32 = arith.constant 0 : i32
    %c0_i32_0 = arith.constant 0 : i32
    %c0_i32_1 = arith.constant 0 : i32
    return %c0_i32, %c0_i32_0 : i32, i32
  }
  func.func @transform_3(%arg0: i32) -> (i32, i32) {
    %c0_i32 = arith.constant 0 : i32
    %c0_i32_0 = arith.constant 0 : i32
    %c0_i32_1 = arith.constant 0 : i32
    return %c0_i32, %c0_i32_0 : i32, i32
  }
  func.func @transform_4(%arg0: i32) -> (i32, i32) {
    %c0_i32 = arith.constant 0 : i32
    %c0_i32_0 = arith.constant 0 : i32
    %c0_i32_1 = arith.constant 0 : i32
    return %c0_i32, %c0_i32_0 : i32, i32
  }
  func.func @transform_5(%arg0: i32) -> i32 {
    %c0_i32 = arith.constant 0 : i32
    %c0_i32_0 = arith.constant 0 : i32
    return %c0_i32 : i32
  }
  func.func @transform_6(%arg0: i32) -> i32 {
    %c0_i32 = arith.constant 0 : i32
    %c0_i32_0 = arith.constant 0 : i32
    return %c0_i32 : i32
  }
  func.func @transform_7(%arg0: i32) -> i32 {
    %c0_i32 = arith.constant 0 : i32
    %c0_i32_0 = arith.constant 0 : i32
    return %c0_i32 : i32
  }
  func.func @transform_8(%arg0: i32) -> (i32, i32) {
    %c0_i32 = arith.constant 0 : i32
    %c0_i32_0 = arith.constant 0 : i32
    return %arg0, %c0_i32 : i32, i32
  }
  func.func @transform_9(%arg0: i32) -> (i32, i32) {
    %c0_i32 = arith.constant 0 : i32
    %c0_i32_0 = arith.constant 0 : i32
    return %arg0, %c0_i32 : i32, i32
  }
  func.func @transform_10(%arg0: i32) -> (i32, i32) {
    %c0_i32 = arith.constant 0 : i32
    %c0_i32_0 = arith.constant 0 : i32
    return %arg0, %c0_i32 : i32, i32
  }
}

module attributes {stable_mosaic.version = 14 : i64} {
  func.func @_router_meta_body(%arg0: i32, %arg1: memref<2048x768xf32, #tpu.memory_space<vmem>>, %arg2: memref<8x768xf32, #tpu.memory_space<vmem>>, %arg3: memref<8xf32, #tpu.memory_space<vmem>>, %arg4: memref<4096x1xi32, #tpu.memory_space<vmem>>, %arg5: memref<2048x1xf32, #tpu.memory_space<vmem>>, %arg6: memref<2048x1xf32, #tpu.memory_space<vmem>>, %arg7: memref<1x24xi32, #tpu.memory_space<vmem>>, %arg8: memref<1x24xi32, #tpu.memory_space<vmem>>) attributes {dimension_semantics = [#tpu.dimension_semantics<arbitrary>], iteration_bounds = array<i64: 1>, scalar_prefetch = 0 : i64, scratch_operands = 0 : i64, tpu.core_type = #tpu.core_type<tc>, window_params = [{pipeline_mode = #tpu.pipeline_mode<synchronous>, transform_indices = @transform_0, window_bounds = array<i64: 2048, 768>}, {pipeline_mode = #tpu.pipeline_mode<synchronous>, transform_indices = @transform_1, window_bounds = array<i64: 8, 768>}, {pipeline_mode = #tpu.pipeline_mode<synchronous>, transform_indices = @transform_2, window_bounds = array<i64: 8>}, {pipeline_mode = #tpu.pipeline_mode<synchronous>, transform_indices = @transform_3, window_bounds = array<i64: 4096, 1>}, {pipeline_mode = #tpu.pipeline_mode<synchronous>, transform_indices = @transform_4, window_bounds = array<i64: 2048, 1>}, {pipeline_mode = #tpu.pipeline_mode<synchronous>, transform_indices = @transform_5, window_bounds = array<i64: 2048, 1>}, {pipeline_mode = #tpu.pipeline_mode<synchronous>, transform_indices = @transform_6, window_bounds = array<i64: 1, 24>}, {pipeline_mode = #tpu.pipeline_mode<synchronous>, transform_indices = @transform_7, window_bounds = array<i64: 1, 24>}]} {
    %get3A = arith.constant 0 : index
    %get3A_0 = arith.constant 0 : index
    %get3A_1 = vector.load %arg1[%get3A, %get3A_0] : memref<2048x768xf32, #tpu.memory_space<vmem>>, vector<2048x768xf32>
    %get3A_2 = arith.constant 0 : index
    %get3A_3 = arith.constant 0 : index
    %get3A_4 = vector.load %arg2[%get3A_2, %get3A_3] : memref<8x768xf32, #tpu.memory_space<vmem>>, vector<8x768xf32>
    %convert_element_type3A = arith.truncf %get3A_1 : vector<2048x768xf32> to vector<2048x768xbf16>
    %convert_element_type3A_5 = arith.truncf %get3A_4 : vector<8x768xf32> to vector<8x768xbf16>
    %dot_general3A = arith.constant dense<0.000000e+00> : vector<2048x8xf32>
    %dot_general3A_6 = tpu.matmul %convert_element_type3A, %convert_element_type3A_5, %dot_general3A {dimension_numbers = #tpu.dot_dimension_numbers<[1], [1], [0], [0], [0, 0, 1, 0], [], []>, transpose_lhs_hint = false} : vector<2048x768xbf16>, vector<8x768xbf16>, vector<2048x8xf32> -> vector<2048x8xf32>
    %get3A_7 = arith.constant 0 : index
    %get3A_8 = vector.load %arg3[%get3A_7] : memref<8xf32, #tpu.memory_space<vmem>>, vector<8xf32>
    %broadcast_in_dim3A = vector.shape_cast %get3A_8 : vector<8xf32> to vector<1x8xf32>
    %add3A = vector.broadcast %broadcast_in_dim3A : vector<1x8xf32> to vector<2048x8xf32>
    %add3A_9 = arith.addf %dot_general3A_6, %add3A : vector<2048x8xf32>
    %iota3A = tpu.iota {dimensions = array<i32: 1>} : vector<2048x8xi32>
    %reduce_max3A = arith.constant dense<0xFF800000> : vector<2048xf32>
    %reduce_max3A_10 = vector.multi_reduction <maximumf>, %add3A_9, %reduce_max3A [1] : vector<2048x8xf32> to vector<2048xf32>
    %broadcast_in_dim3A_11 = vector.shape_cast %reduce_max3A_10 : vector<2048xf32> to vector<2048x1xf32>
    %eq3A = vector.broadcast %broadcast_in_dim3A_11 : vector<2048x1xf32> to vector<2048x8xf32>
    %eq3A_12 = arith.cmpf oeq, %add3A_9, %eq3A : vector<2048x8xf32>
    %jit3A = arith.constant 8 : i32
    %broadcast_in_dim3A_13 = vector.broadcast %jit3A : i32 to vector<2048x8xi32>
    %select_n3A = arith.select %eq3A_12, %iota3A, %broadcast_in_dim3A_13 : vector<2048x8xi1>, vector<2048x8xi32>
    %reduce_min3A = arith.constant dense<2147483647> : vector<2048xi32>
    %reduce_min3A_14 = vector.multi_reduction <minsi>, %select_n3A, %reduce_min3A [1] : vector<2048x8xi32> to vector<2048xi32>
    %broadcast_in_dim3A_15 = vector.shape_cast %reduce_min3A_14 : vector<2048xi32> to vector<2048x1xi32>
    %eq3A_16 = vector.broadcast %broadcast_in_dim3A_15 : vector<2048x1xi32> to vector<2048x8xi32>
    %eq3A_17 = arith.cmpi eq, %iota3A, %eq3A_16 : vector<2048x8xi32>
    %jit3A_18 = arith.constant 0xFF800000 : f32
    %broadcast_in_dim3A_19 = vector.broadcast %jit3A_18 : f32 to vector<2048x8xf32>
    %select_n3A_20 = arith.select %eq3A_17, %broadcast_in_dim3A_19, %add3A_9 : vector<2048x8xi1>, vector<2048x8xf32>
    %reduce_max3A_21 = arith.constant dense<0xFF800000> : vector<2048xf32>
    %reduce_max3A_22 = vector.multi_reduction <maximumf>, %select_n3A_20, %reduce_max3A_21 [1] : vector<2048x8xf32> to vector<2048xf32>
    %broadcast_in_dim3A_23 = vector.shape_cast %reduce_max3A_22 : vector<2048xf32> to vector<2048x1xf32>
    %eq3A_24 = vector.broadcast %broadcast_in_dim3A_23 : vector<2048x1xf32> to vector<2048x8xf32>
    %eq3A_25 = arith.cmpf oeq, %select_n3A_20, %eq3A_24 : vector<2048x8xf32>
    %jit3A_26 = arith.constant 8 : i32
    %broadcast_in_dim3A_27 = vector.broadcast %jit3A_26 : i32 to vector<2048x8xi32>
    %select_n3A_28 = arith.select %eq3A_25, %iota3A, %broadcast_in_dim3A_27 : vector<2048x8xi1>, vector<2048x8xi32>
    %reduce_min3A_29 = arith.constant dense<2147483647> : vector<2048xi32>
    %reduce_min3A_30 = vector.multi_reduction <minsi>, %select_n3A_28, %reduce_min3A_29 [1] : vector<2048x8xi32> to vector<2048xi32>
    %broadcast_in_dim3A_31 = vector.shape_cast %reduce_min3A_30 : vector<2048xi32> to vector<2048x1xi32>
    %sub3A = arith.subf %broadcast_in_dim3A_23, %broadcast_in_dim3A_11 : vector<2048x1xf32>
    %exp3A = math.exp %sub3A : vector<2048x1xf32>
    %add3A_32 = arith.constant 1.000000e+00 : f32
    %add3A_33 = vector.broadcast %add3A_32 : f32 to vector<2048x1xf32>
    %add3A_34 = arith.addf %add3A_33, %exp3A : vector<2048x1xf32>
    %div3A = arith.constant 1.000000e+00 : f32
    %div3A_35 = vector.broadcast %div3A : f32 to vector<2048x1xf32>
    %div3A_36 = arith.divf %div3A_35, %add3A_34 : vector<2048x1xf32>
    %swap3A = arith.constant 0 : index
    %swap3A_37 = arith.constant 0 : index
    %swap3A_38 = vector.load %arg5[%swap3A, %swap3A_37] : memref<2048x1xf32, #tpu.memory_space<vmem>>, vector<2048x1xf32>
    tpu.vector_store %arg5[%swap3A, %swap3A_37], %div3A_36 {strides = array<i32>} : memref<2048x1xf32, #tpu.memory_space<vmem>>, vector<2048x1xf32>,
    %div3A_39 = arith.divf %exp3A, %add3A_34 : vector<2048x1xf32>
    %swap3A_40 = arith.constant 0 : index
    %swap3A_41 = arith.constant 0 : index
    %swap3A_42 = vector.load %arg6[%swap3A_40, %swap3A_41] : memref<2048x1xf32, #tpu.memory_space<vmem>>, vector<2048x1xf32>
    tpu.vector_store %arg6[%swap3A_40, %swap3A_41], %div3A_39 {strides = array<i32>} : memref<2048x1xf32, #tpu.memory_space<vmem>>, vector<2048x1xf32>,
    %eq3A_43 = vector.broadcast %broadcast_in_dim3A_15 : vector<2048x1xi32> to vector<2048x8xi32>
    %eq3A_44 = arith.cmpi eq, %iota3A, %eq3A_43 : vector<2048x8xi32>
    %convert_element_type3A_45 = arith.extui %eq3A_44 : vector<2048x8xi1> to vector<2048x8xi32>
    %convert_element_type3A_46 = arith.sitofp %convert_element_type3A_45 : vector<2048x8xi32> to vector<2048x8xf32>
    %eq3A_47 = vector.broadcast %broadcast_in_dim3A_31 : vector<2048x1xi32> to vector<2048x8xi32>
    %eq3A_48 = arith.cmpi eq, %iota3A, %eq3A_47 : vector<2048x8xi32>
    %convert_element_type3A_49 = arith.extui %eq3A_48 : vector<2048x8xi1> to vector<2048x8xi32>
    %convert_element_type3A_50 = arith.sitofp %convert_element_type3A_49 : vector<2048x8xi32> to vector<2048x8xf32>
    %iota3A_51 = tpu.iota {dimensions = array<i32: 0>} : vector<2048x2048xi32>
    %iota3A_52 = tpu.iota {dimensions = array<i32: 1>} : vector<2048x2048xi32>
    %lt3A = arith.cmpi slt, %iota3A_52, %iota3A_51 : vector<2048x2048xi32>
    %convert_element_type3A_53 = arith.extui %lt3A : vector<2048x2048xi1> to vector<2048x2048xi32>
    %convert_element_type3A_54 = arith.sitofp %convert_element_type3A_53 : vector<2048x2048xi32> to vector<2048x2048xf32>
    %convert_element_type3A_55 = arith.truncf %convert_element_type3A_54 : vector<2048x2048xf32> to vector<2048x2048xbf16>
    %convert_element_type3A_56 = arith.truncf %convert_element_type3A_46 : vector<2048x8xf32> to vector<2048x8xbf16>
    %dot_general3A_57 = arith.constant dense<0.000000e+00> : vector<2048x8xf32>
    %dot_general3A_58 = tpu.matmul %convert_element_type3A_55, %convert_element_type3A_56, %dot_general3A_57 {dimension_numbers = #tpu.dot_dimension_numbers<[1], [0], [0], [1], [0, 0, 1, 1], [], []>, transpose_lhs_hint = false} : vector<2048x2048xbf16>, vector<2048x8xbf16>, vector<2048x8xf32> -> vector<2048x8xf32>
    %convert_element_type3A_59 = arith.truncf %convert_element_type3A_50 : vector<2048x8xf32> to vector<2048x8xbf16>
    %dot_general3A_60 = arith.constant dense<0.000000e+00> : vector<2048x8xf32>
    %dot_general3A_61 = tpu.matmul %convert_element_type3A_55, %convert_element_type3A_59, %dot_general3A_60 {dimension_numbers = #tpu.dot_dimension_numbers<[1], [0], [0], [1], [0, 0, 1, 1], [], []>, transpose_lhs_hint = false} : vector<2048x2048xbf16>, vector<2048x8xbf16>, vector<2048x8xf32> -> vector<2048x8xf32>
    %mul3A = arith.mulf %dot_general3A_58, %convert_element_type3A_46 : vector<2048x8xf32>
    %reduce_sum3A = arith.constant dense<0.000000e+00> : vector<2048xf32>
    %reduce_sum3A_62 = vector.multi_reduction <add>, %mul3A, %reduce_sum3A [1] : vector<2048x8xf32> to vector<2048xf32>
    %broadcast_in_dim3A_63 = vector.shape_cast %reduce_sum3A_62 : vector<2048xf32> to vector<2048x1xf32>
    %mul3A_64 = arith.mulf %dot_general3A_61, %convert_element_type3A_50 : vector<2048x8xf32>
    %reduce_sum3A_65 = arith.constant dense<0.000000e+00> : vector<2048xf32>
    %reduce_sum3A_66 = vector.multi_reduction <add>, %mul3A_64, %reduce_sum3A_65 [1] : vector<2048x8xf32> to vector<2048xf32>
    %broadcast_in_dim3A_67 = vector.shape_cast %reduce_sum3A_66 : vector<2048xf32> to vector<2048x1xf32>
    %reduce_sum3A_68 = arith.constant dense<0.000000e+00> : vector<8xf32>
    %reduce_sum3A_69 = vector.multi_reduction <add>, %convert_element_type3A_46, %reduce_sum3A_68 [0] : vector<2048x8xf32> to vector<8xf32>
    %broadcast_in_dim3A_70 = vector.shape_cast %reduce_sum3A_69 : vector<8xf32> to vector<1x8xf32>
    %reduce_sum3A_71 = arith.constant dense<0.000000e+00> : vector<8xf32>
    %reduce_sum3A_72 = vector.multi_reduction <add>, %convert_element_type3A_50, %reduce_sum3A_71 [0] : vector<2048x8xf32> to vector<8xf32>
    %broadcast_in_dim3A_73 = vector.shape_cast %reduce_sum3A_72 : vector<8xf32> to vector<1x8xf32>
    %add3A_74 = arith.addf %broadcast_in_dim3A_70, %broadcast_in_dim3A_73 : vector<1x8xf32>
    %add3A_75 = arith.constant 2.550000e+02 : f32
    %add3A_76 = vector.broadcast %add3A_75 : f32 to vector<1x8xf32>
    %add3A_77 = arith.addf %add3A_74, %add3A_76 : vector<1x8xf32>
    %div3A_78 = arith.constant 2.560000e+02 : f32
    %div3A_79 = vector.broadcast %div3A_78 : f32 to vector<1x8xf32>
    %div3A_80 = arith.divf %add3A_77, %div3A_79 : vector<1x8xf32>
    %floor3A = math.floor %div3A_80 : vector<1x8xf32>
    %iota3A_81 = tpu.iota {dimensions = array<i32: 0>} : vector<8x8xi32>
    %iota3A_82 = tpu.iota {dimensions = array<i32: 1>} : vector<8x8xi32>
    %le3A = arith.cmpi sle, %iota3A_81, %iota3A_82 : vector<8x8xi32>
    %convert_element_type3A_83 = arith.extui %le3A : vector<8x8xi1> to vector<8x8xi32>
    %convert_element_type3A_84 = arith.sitofp %convert_element_type3A_83 : vector<8x8xi32> to vector<8x8xf32>
    %convert_element_type3A_85 = arith.truncf %convert_element_type3A_84 : vector<8x8xf32> to vector<8x8xbf16>
    %convert_element_type3A_86 = arith.truncf %floor3A : vector<1x8xf32> to vector<1x8xbf16>
    %dot_general3A_87 = arith.constant dense<0.000000e+00> : vector<1x8xf32>
    %dot_general3A_88 = tpu.matmul %convert_element_type3A_86, %convert_element_type3A_85, %dot_general3A_87 {dimension_numbers = #tpu.dot_dimension_numbers<[1], [0], [0], [1], [0, 0, 1, 1], [], []>, transpose_lhs_hint = false} : vector<1x8xbf16>, vector<8x8xbf16>, vector<1x8xf32> -> vector<1x8xf32>
    %sub3A_89 = arith.subf %dot_general3A_88, %floor3A : vector<1x8xf32>
    %mul3A_90 = arith.constant 2.560000e+02 : f32
    %mul3A_91 = vector.broadcast %mul3A_90 : f32 to vector<1x8xf32>
    %mul3A_92 = arith.mulf %sub3A_89, %mul3A_91 : vector<1x8xf32>
    %eq3A_93 = vector.broadcast %broadcast_in_dim3A_15 : vector<2048x1xi32> to vector<2048x8xi32>
    %eq3A_94 = arith.cmpi eq, %iota3A, %eq3A_93 : vector<2048x8xi32>
    %jit3A_95 = arith.constant 0.000000e+00 : f32
    %broadcast_in_dim3A_96 = vector.shape_cast %mul3A_92 : vector<1x8xf32> to vector<1x8xf32>
    %broadcast_in_dim3A_97 = vector.broadcast %broadcast_in_dim3A_96 : vector<1x8xf32> to vector<2048x8xf32>
    %broadcast_in_dim3A_98 = vector.broadcast %jit3A_95 : f32 to vector<2048x8xf32>
    %select_n3A_99 = arith.select %eq3A_94, %broadcast_in_dim3A_97, %broadcast_in_dim3A_98 : vector<2048x8xi1>, vector<2048x8xf32>
    %reduce_sum3A_100 = arith.constant dense<0.000000e+00> : vector<2048xf32>
    %reduce_sum3A_101 = vector.multi_reduction <add>, %select_n3A_99, %reduce_sum3A_100 [1] : vector<2048x8xf32> to vector<2048xf32>
    %broadcast_in_dim3A_102 = vector.shape_cast %reduce_sum3A_101 : vector<2048xf32> to vector<2048x1xf32>
    %eq3A_103 = vector.broadcast %broadcast_in_dim3A_31 : vector<2048x1xi32> to vector<2048x8xi32>
    %eq3A_104 = arith.cmpi eq, %iota3A, %eq3A_103 : vector<2048x8xi32>
    %jit3A_105 = arith.constant 0.000000e+00 : f32
    %broadcast_in_dim3A_106 = vector.shape_cast %mul3A_92 : vector<1x8xf32> to vector<1x8xf32>
    %broadcast_in_dim3A_107 = vector.broadcast %broadcast_in_dim3A_106 : vector<1x8xf32> to vector<2048x8xf32>
    %broadcast_in_dim3A_108 = vector.broadcast %jit3A_105 : f32 to vector<2048x8xf32>
    %select_n3A_109 = arith.select %eq3A_104, %broadcast_in_dim3A_107, %broadcast_in_dim3A_108 : vector<2048x8xi1>, vector<2048x8xf32>
    %reduce_sum3A_110 = arith.constant dense<0.000000e+00> : vector<2048xf32>
    %reduce_sum3A_111 = vector.multi_reduction <add>, %select_n3A_109, %reduce_sum3A_110 [1] : vector<2048x8xf32> to vector<2048xf32>
    %broadcast_in_dim3A_112 = vector.shape_cast %reduce_sum3A_111 : vector<2048xf32> to vector<2048x1xf32>
    %eq3A_113 = vector.broadcast %broadcast_in_dim3A_31 : vector<2048x1xi32> to vector<2048x8xi32>
    %eq3A_114 = arith.cmpi eq, %iota3A, %eq3A_113 : vector<2048x8xi32>
    %jit3A_115 = arith.constant 0.000000e+00 : f32
    %broadcast_in_dim3A_116 = vector.shape_cast %broadcast_in_dim3A_70 : vector<1x8xf32> to vector<1x8xf32>
    %broadcast_in_dim3A_117 = vector.broadcast %broadcast_in_dim3A_116 : vector<1x8xf32> to vector<2048x8xf32>
    %broadcast_in_dim3A_118 = vector.broadcast %jit3A_115 : f32 to vector<2048x8xf32>
    %select_n3A_119 = arith.select %eq3A_114, %broadcast_in_dim3A_117, %broadcast_in_dim3A_118 : vector<2048x8xi1>, vector<2048x8xf32>
    %reduce_sum3A_120 = arith.constant dense<0.000000e+00> : vector<2048xf32>
    %reduce_sum3A_121 = vector.multi_reduction <add>, %select_n3A_119, %reduce_sum3A_120 [1] : vector<2048x8xf32> to vector<2048xf32>
    %broadcast_in_dim3A_122 = vector.shape_cast %reduce_sum3A_121 : vector<2048xf32> to vector<2048x1xf32>
    %add3A_123 = arith.addf %broadcast_in_dim3A_102, %broadcast_in_dim3A_63 : vector<2048x1xf32>
    %convert_element_type3A_124 = arith.fptosi %add3A_123 : vector<2048x1xf32> to vector<2048x1xi32>
    %add3A_125 = arith.addf %broadcast_in_dim3A_112, %broadcast_in_dim3A_122 : vector<2048x1xf32>
    %add3A_126 = arith.addf %add3A_125, %broadcast_in_dim3A_67 : vector<2048x1xf32>
    %convert_element_type3A_127 = arith.fptosi %add3A_126 : vector<2048x1xf32> to vector<2048x1xi32>
    %concatenate3A = tpu.concatenate %convert_element_type3A_124, %convert_element_type3A_127 in 0 : vector<2048x1xi32>, vector<2048x1xi32> -> vector<4096x1xi32>
    %swap3A_128 = arith.constant 0 : index
    %swap3A_129 = arith.constant 0 : index
    %swap3A_130 = vector.load %arg4[%swap3A_128, %swap3A_129] : memref<4096x1xi32, #tpu.memory_space<vmem>>, vector<4096x1xi32>
    tpu.vector_store %arg4[%swap3A_128, %swap3A_129], %concatenate3A {strides = array<i32>} : memref<4096x1xi32, #tpu.memory_space<vmem>>, vector<4096x1xi32>,
    %reduce_sum3A_131 = vector.shape_cast %floor3A : vector<1x8xf32> to vector<1x1x8xf32>
    %reduce_sum3A_132 = arith.constant dense<0.000000e+00> : vector<1xf32>
    %reduce_sum3A_133 = vector.multi_reduction <add>, %reduce_sum3A_131, %reduce_sum3A_132 [1, 2] : vector<1x1x8xf32> to vector<1xf32>
    %reduce_sum3A_134 = vector.shape_cast %reduce_sum3A_133 : vector<1xf32> to vector<1x1x1xf32>
    %reduce_sum3A_135 = vector.extract %reduce_sum3A_134[0, 0, 0] : f32 from vector<1x1x1xf32>
    %iota3A_136 = tpu.iota {dimensions = array<i32: 1>} : vector<1x24xi32>
    %convert_element_type3A_137 = arith.sitofp %iota3A_136 : vector<1x24xi32> to vector<1x24xf32>
    %lt3A_138 = vector.broadcast %reduce_sum3A_135 : f32 to vector<1x24xf32>
    %lt3A_139 = arith.cmpf olt, %convert_element_type3A_137, %lt3A_138 : vector<1x24xf32>
    %convert_element_type3A_140 = arith.extui %lt3A_139 : vector<1x24xi1> to vector<1x24xi32>
    %swap3A_141 = arith.constant 0 : index
    %swap3A_142 = arith.constant 0 : index
    %swap3A_143 = vector.load %arg8[%swap3A_141, %swap3A_142] : memref<1x24xi32, #tpu.memory_space<vmem>>, vector<1x24xi32>
    tpu.vector_store %arg8[%swap3A_141, %swap3A_142], %convert_element_type3A_140 {strides = array<i32>} : memref<1x24xi32, #tpu.memory_space<vmem>>, vector<1x24xi32>,
    %sub3A_144 = arith.constant 1.000000e+00 : f32
    %sub3A_145 = arith.subf %reduce_sum3A_135, %sub3A_144 : f32
    %min3A = vector.broadcast %sub3A_145 : f32 to vector<1x24xf32>
    %min3A_146 = arith.minimumf %convert_element_type3A_137, %min3A : vector<1x24xf32>
    %reshape3A = vector.shape_cast %dot_general3A_88 : vector<1x8xf32> to vector<8x1xf32>
    %broadcast_in_dim3A_147 = vector.shape_cast %reshape3A : vector<8x1xf32> to vector<8x1xf32>
    %broadcast_in_dim3A_148 = vector.broadcast %broadcast_in_dim3A_147 : vector<8x1xf32> to vector<8x24xf32>
    %le3A_149 = vector.broadcast %min3A_146 : vector<1x24xf32> to vector<8x24xf32>
    %le3A_150 = arith.cmpf ole, %broadcast_in_dim3A_148, %le3A_149 : vector<8x24xf32>
    %convert_element_type3A_151 = arith.extui %le3A_150 : vector<8x24xi1> to vector<8x24xi32>
    %reduce_sum3A_152 = arith.constant dense<0> : vector<24xi32>
    %reduce_sum3A_153 = vector.multi_reduction <add>, %convert_element_type3A_151, %reduce_sum3A_152 [0] : vector<8x24xi32> to vector<24xi32>
    %broadcast_in_dim3A_154 = vector.shape_cast %reduce_sum3A_153 : vector<24xi32> to vector<1x24xi32>
    %swap3A_155 = arith.constant 0 : index
    %swap3A_156 = arith.constant 0 : index
    %swap3A_157 = vector.load %arg7[%swap3A_155, %swap3A_156] : memref<1x24xi32, #tpu.memory_space<vmem>>, vector<1x24xi32>
    tpu.vector_store %arg7[%swap3A_155, %swap3A_156], %broadcast_in_dim3A_154 {strides = array<i32>} : memref<1x24xi32, #tpu.memory_space<vmem>>, vector<1x24xi32>,
    return
  }
  func.func @transform_0(%arg0: i32) -> (i32, i32) {
    %c0_i32 = arith.constant 0 : i32
    %c0_i32_0 = arith.constant 0 : i32
    %c0_i32_1 = arith.constant 0 : i32
    return %c0_i32, %c0_i32_0 : i32, i32
  }
  func.func @transform_1(%arg0: i32) -> (i32, i32) {
    %c0_i32 = arith.constant 0 : i32
    %c0_i32_0 = arith.constant 0 : i32
    %c0_i32_1 = arith.constant 0 : i32
    return %c0_i32, %c0_i32_0 : i32, i32
  }
  func.func @transform_2(%arg0: i32) -> i32 {
    %c0_i32 = arith.constant 0 : i32
    %c0_i32_0 = arith.constant 0 : i32
    return %c0_i32 : i32
  }
  func.func @transform_3(%arg0: i32) -> (i32, i32) {
    %c0_i32 = arith.constant 0 : i32
    %c0_i32_0 = arith.constant 0 : i32
    %c0_i32_1 = arith.constant 0 : i32
    return %c0_i32, %c0_i32_0 : i32, i32
  }
  func.func @transform_4(%arg0: i32) -> (i32, i32) {
    %c0_i32 = arith.constant 0 : i32
    %c0_i32_0 = arith.constant 0 : i32
    %c0_i32_1 = arith.constant 0 : i32
    return %c0_i32, %c0_i32_0 : i32, i32
  }
  func.func @transform_5(%arg0: i32) -> (i32, i32) {
    %c0_i32 = arith.constant 0 : i32
    %c0_i32_0 = arith.constant 0 : i32
    %c0_i32_1 = arith.constant 0 : i32
    return %c0_i32, %c0_i32_0 : i32, i32
  }
  func.func @transform_6(%arg0: i32) -> (i32, i32) {
    %c0_i32 = arith.constant 0 : i32
    %c0_i32_0 = arith.constant 0 : i32
    %c0_i32_1 = arith.constant 0 : i32
    return %c0_i32, %c0_i32_0 : i32, i32
  }
  func.func @transform_7(%arg0: i32) -> (i32, i32) {
    %c0_i32 = arith.constant 0 : i32
    %c0_i32_0 = arith.constant 0 : i32
    %c0_i32_1 = arith.constant 0 : i32
    return %c0_i32, %c0_i32_0 : i32, i32
  }
}

module attributes {stable_mosaic.version = 14 : i64} {
  func.func @_ffn_body(%arg0: i32, %arg1: memref<24xi32, #tpu.memory_space<smem>>, %arg2: memref<24xi32, #tpu.memory_space<smem>>, %arg3: memref<256x768xf32, #tpu.memory_space<vmem>>, %arg4: memref<1x2048x768xf32, #tpu.memory_space<vmem>>, %arg5: memref<1x1x2048xf32, #tpu.memory_space<vmem>>, %arg6: memref<1x768x2048xf32, #tpu.memory_space<vmem>>, %arg7: memref<1x1x768xf32, #tpu.memory_space<vmem>>, %arg8: memref<256x768xf32, #tpu.memory_space<vmem>>) attributes {dimension_semantics = [#tpu.dimension_semantics<arbitrary>], iteration_bounds = array<i64: 24>, scalar_prefetch = 2 : i64, scratch_operands = 0 : i64, tpu.core_type = #tpu.core_type<tc>, window_params = [{transform_indices = @transform_0, window_bounds = array<i64: 256, 768>}, {transform_indices = @transform_1, window_bounds = array<i64: 1, 2048, 768>}, {transform_indices = @transform_2, window_bounds = array<i64: 1, 1, 2048>}, {transform_indices = @transform_3, window_bounds = array<i64: 1, 768, 2048>}, {transform_indices = @transform_4, window_bounds = array<i64: 1, 1, 768>}, {transform_indices = @transform_5, window_bounds = array<i64: 256, 768>}]} {
    %get3A = arith.index_cast %arg0 : i32 to index
    %get3A_0 = memref.load %arg2[%get3A] : memref<24xi32, #tpu.memory_space<smem>>
    %eq3A = arith.constant 1 : i32
    %eq3A_1 = arith.cmpi eq, %get3A_0, %eq3A : i32
    %convert_element_type3A = arith.extui %eq3A_1 : i1 to i32
    %cond3A = arith.constant 0 : i32
    %cond3A_2 = arith.cmpi ne, %convert_element_type3A, %cond3A : i32
    scf.if %cond3A_2 {
      %get3A_3 = arith.constant 0 : index
      %get3A_4 = arith.constant 0 : index
      %get3A_5 = vector.load %arg3[%get3A_3, %get3A_4] : memref<256x768xf32, #tpu.memory_space<vmem>>, vector<256x768xf32>
      %get3A_6 = arith.constant 0 : index
      %get3A_7 = arith.constant 0 : index
      %get3A_8 = arith.constant 0 : index
      %get3A_9 = vector.load %arg4[%get3A_6, %get3A_7, %get3A_8] : memref<1x2048x768xf32, #tpu.memory_space<vmem>>, vector<1x2048x768xf32>
      %get3A_10 = vector.shape_cast %get3A_9 : vector<1x2048x768xf32> to vector<2048x768xf32>
      %convert_element_type3A_11 = arith.truncf %get3A_5 : vector<256x768xf32> to vector<256x768xbf16>
      %convert_element_type3A_12 = arith.truncf %get3A_10 : vector<2048x768xf32> to vector<2048x768xbf16>
      %dot_general3A = arith.constant dense<0.000000e+00> : vector<256x2048xf32>
      %dot_general3A_13 = tpu.matmul %convert_element_type3A_11, %convert_element_type3A_12, %dot_general3A {dimension_numbers = #tpu.dot_dimension_numbers<[1], [1], [0], [0], [0, 0, 1, 0], [], []>, transpose_lhs_hint = false} : vector<256x768xbf16>, vector<2048x768xbf16>, vector<256x2048xf32> -> vector<256x2048xf32>
      %get3A_14 = arith.constant 0 : index
      %get3A_15 = arith.constant 0 : index
      %get3A_16 = arith.constant 0 : index
      %get3A_17 = vector.load %arg5[%get3A_14, %get3A_15, %get3A_16] : memref<1x1x2048xf32, #tpu.memory_space<vmem>>, vector<1x1x2048xf32>
      %get3A_18 = vector.shape_cast %get3A_17 : vector<1x1x2048xf32> to vector<1x2048xf32>
      %add3A = vector.broadcast %get3A_18 : vector<1x2048xf32> to vector<256x2048xf32>
      %add3A_19 = arith.addf %dot_general3A_13, %add3A : vector<256x2048xf32>
      %max3A = arith.constant 0.000000e+00 : f32
      %max3A_20 = vector.broadcast %max3A : f32 to vector<256x2048xf32>
      %max3A_21 = arith.maximumf %add3A_19, %max3A_20 : vector<256x2048xf32>
      %get3A_22 = arith.constant 0 : index
      %get3A_23 = arith.constant 0 : index
      %get3A_24 = arith.constant 0 : index
      %get3A_25 = vector.load %arg6[%get3A_22, %get3A_23, %get3A_24] : memref<1x768x2048xf32, #tpu.memory_space<vmem>>, vector<1x768x2048xf32>
      %get3A_26 = vector.shape_cast %get3A_25 : vector<1x768x2048xf32> to vector<768x2048xf32>
      %convert_element_type3A_27 = arith.truncf %max3A_21 : vector<256x2048xf32> to vector<256x2048xbf16>
      %convert_element_type3A_28 = arith.truncf %get3A_26 : vector<768x2048xf32> to vector<768x2048xbf16>
      %dot_general3A_29 = arith.constant dense<0.000000e+00> : vector<256x768xf32>
      %dot_general3A_30 = tpu.matmul %convert_element_type3A_27, %convert_element_type3A_28, %dot_general3A_29 {dimension_numbers = #tpu.dot_dimension_numbers<[1], [1], [0], [0], [0, 0, 1, 0], [], []>, transpose_lhs_hint = false} : vector<256x2048xbf16>, vector<768x2048xbf16>, vector<256x768xf32> -> vector<256x768xf32>
      %get3A_31 = arith.constant 0 : index
      %get3A_32 = arith.constant 0 : index
      %get3A_33 = arith.constant 0 : index
      %get3A_34 = vector.load %arg7[%get3A_31, %get3A_32, %get3A_33] : memref<1x1x768xf32, #tpu.memory_space<vmem>>, vector<1x1x768xf32>
      %get3A_35 = vector.shape_cast %get3A_34 : vector<1x1x768xf32> to vector<1x768xf32>
      %add3A_36 = vector.broadcast %get3A_35 : vector<1x768xf32> to vector<256x768xf32>
      %add3A_37 = arith.addf %dot_general3A_30, %add3A_36 : vector<256x768xf32>
      %swap3A = arith.constant 0 : index
      %swap3A_38 = arith.constant 0 : index
      %swap3A_39 = vector.load %arg8[%swap3A, %swap3A_38] : memref<256x768xf32, #tpu.memory_space<vmem>>, vector<256x768xf32>
      tpu.vector_store %arg8[%swap3A, %swap3A_38], %add3A_37 {strides = array<i32>} : memref<256x768xf32, #tpu.memory_space<vmem>>, vector<256x768xf32>,
    } else {
    }
    return
  }
  func.func @transform_0(%arg0: i32, %arg1: memref<24xi32, #tpu.memory_space<smem>>, %arg2: memref<24xi32, #tpu.memory_space<smem>>) -> (i32, i32) {
    %c0_i32 = arith.constant 0 : i32
    %c0_i32_0 = arith.constant 0 : i32
    return %arg0, %c0_i32 : i32, i32
  }
  func.func @transform_1(%arg0: i32, %arg1: memref<24xi32, #tpu.memory_space<smem>>, %arg2: memref<24xi32, #tpu.memory_space<smem>>) -> (i32, i32, i32) {
    %get3A = arith.index_cast %arg0 : i32 to index
    %get3A_0 = memref.load %arg1[%get3A] : memref<24xi32, #tpu.memory_space<smem>>
    %c0_i32 = arith.constant 0 : i32
    %c0_i32_1 = arith.constant 0 : i32
    %c0_i32_2 = arith.constant 0 : i32
    return %get3A_0, %c0_i32, %c0_i32_1 : i32, i32, i32
  }
  func.func @transform_2(%arg0: i32, %arg1: memref<24xi32, #tpu.memory_space<smem>>, %arg2: memref<24xi32, #tpu.memory_space<smem>>) -> (i32, i32, i32) {
    %get3A = arith.index_cast %arg0 : i32 to index
    %get3A_0 = memref.load %arg1[%get3A] : memref<24xi32, #tpu.memory_space<smem>>
    %c0_i32 = arith.constant 0 : i32
    %c0_i32_1 = arith.constant 0 : i32
    %c0_i32_2 = arith.constant 0 : i32
    return %get3A_0, %c0_i32, %c0_i32_1 : i32, i32, i32
  }
  func.func @transform_3(%arg0: i32, %arg1: memref<24xi32, #tpu.memory_space<smem>>, %arg2: memref<24xi32, #tpu.memory_space<smem>>) -> (i32, i32, i32) {
    %get3A = arith.index_cast %arg0 : i32 to index
    %get3A_0 = memref.load %arg1[%get3A] : memref<24xi32, #tpu.memory_space<smem>>
    %c0_i32 = arith.constant 0 : i32
    %c0_i32_1 = arith.constant 0 : i32
    %c0_i32_2 = arith.constant 0 : i32
    return %get3A_0, %c0_i32, %c0_i32_1 : i32, i32, i32
  }
  func.func @transform_4(%arg0: i32, %arg1: memref<24xi32, #tpu.memory_space<smem>>, %arg2: memref<24xi32, #tpu.memory_space<smem>>) -> (i32, i32, i32) {
    %get3A = arith.index_cast %arg0 : i32 to index
    %get3A_0 = memref.load %arg1[%get3A] : memref<24xi32, #tpu.memory_space<smem>>
    %c0_i32 = arith.constant 0 : i32
    %c0_i32_1 = arith.constant 0 : i32
    %c0_i32_2 = arith.constant 0 : i32
    return %get3A_0, %c0_i32, %c0_i32_1 : i32, i32, i32
  }
  func.func @transform_5(%arg0: i32, %arg1: memref<24xi32, #tpu.memory_space<smem>>, %arg2: memref<24xi32, #tpu.memory_space<smem>>) -> (i32, i32) {
    %c0_i32 = arith.constant 0 : i32
    %c0_i32_0 = arith.constant 0 : i32
    return %arg0, %c0_i32 : i32, i32
  }
}

module attributes {stable_mosaic.version = 14 : i64} {
  func.func @_combine_body(%arg0: i32, %arg1: memref<256x768xf32, #tpu.memory_space<vmem>>, %arg2: memref<256x768xf32, #tpu.memory_space<vmem>>, %arg3: memref<256x768xf32, #tpu.memory_space<vmem>>, %arg4: memref<256x1xf32, #tpu.memory_space<vmem>>, %arg5: memref<256x1xf32, #tpu.memory_space<vmem>>, %arg6: memref<768xf32, #tpu.memory_space<vmem>>, %arg7: memref<768xf32, #tpu.memory_space<vmem>>, %arg8: memref<256x768xf32, #tpu.memory_space<vmem>>) attributes {dimension_semantics = [#tpu.dimension_semantics<arbitrary>], iteration_bounds = array<i64: 8>, scalar_prefetch = 0 : i64, scratch_operands = 0 : i64, tpu.core_type = #tpu.core_type<tc>, window_params = [{transform_indices = @transform_0, window_bounds = array<i64: 256, 768>}, {transform_indices = @transform_1, window_bounds = array<i64: 256, 768>}, {transform_indices = @transform_2, window_bounds = array<i64: 256, 768>}, {transform_indices = @transform_3, window_bounds = array<i64: 256, 1>}, {transform_indices = @transform_4, window_bounds = array<i64: 256, 1>}, {pipeline_mode = #tpu.pipeline_mode<synchronous>, transform_indices = @transform_5, window_bounds = array<i64: 768>}, {pipeline_mode = #tpu.pipeline_mode<synchronous>, transform_indices = @transform_6, window_bounds = array<i64: 768>}, {transform_indices = @transform_7, window_bounds = array<i64: 256, 768>}]} {
    %get3A = arith.constant 0 : index
    %get3A_0 = arith.constant 0 : index
    %get3A_1 = vector.load %arg2[%get3A, %get3A_0] : memref<256x768xf32, #tpu.memory_space<vmem>>, vector<256x768xf32>
    %get3A_2 = arith.constant 0 : index
    %get3A_3 = arith.constant 0 : index
    %get3A_4 = vector.load %arg4[%get3A_2, %get3A_3] : memref<256x1xf32, #tpu.memory_space<vmem>>, vector<256x1xf32>
    %mul3A = vector.broadcast %get3A_4 : vector<256x1xf32> to vector<256x768xf32>
    %mul3A_5 = arith.mulf %get3A_1, %mul3A : vector<256x768xf32>
    %get3A_6 = arith.constant 0 : index
    %get3A_7 = arith.constant 0 : index
    %get3A_8 = vector.load %arg3[%get3A_6, %get3A_7] : memref<256x768xf32, #tpu.memory_space<vmem>>, vector<256x768xf32>
    %get3A_9 = arith.constant 0 : index
    %get3A_10 = arith.constant 0 : index
    %get3A_11 = vector.load %arg5[%get3A_9, %get3A_10] : memref<256x1xf32, #tpu.memory_space<vmem>>, vector<256x1xf32>
    %mul3A_12 = vector.broadcast %get3A_11 : vector<256x1xf32> to vector<256x768xf32>
    %mul3A_13 = arith.mulf %get3A_8, %mul3A_12 : vector<256x768xf32>
    %add3A = arith.addf %mul3A_5, %mul3A_13 : vector<256x768xf32>
    %get3A_14 = arith.constant 0 : index
    %get3A_15 = arith.constant 0 : index
    %get3A_16 = vector.load %arg1[%get3A_14, %get3A_15] : memref<256x768xf32, #tpu.memory_space<vmem>>, vector<256x768xf32>
    %add3A_17 = arith.addf %get3A_16, %add3A : vector<256x768xf32>
    %get3A_18 = arith.constant 0 : index
    %get3A_19 = vector.load %arg6[%get3A_18] : memref<768xf32, #tpu.memory_space<vmem>>, vector<768xf32>
    %get3A_20 = arith.constant 0 : index
    %get3A_21 = vector.load %arg7[%get3A_20] : memref<768xf32, #tpu.memory_space<vmem>>, vector<768xf32>
    %reduce_sum3A = arith.constant dense<0.000000e+00> : vector<256xf32>
    %reduce_sum3A_22 = vector.multi_reduction <add>, %add3A_17, %reduce_sum3A [1] : vector<256x768xf32> to vector<256xf32>
    %broadcast_in_dim3A = vector.shape_cast %reduce_sum3A_22 : vector<256xf32> to vector<256x1xf32>
    %div3A = arith.constant 7.680000e+02 : f32
    %div3A_23 = vector.broadcast %div3A : f32 to vector<256x1xf32>
    %div3A_24 = arith.divf %broadcast_in_dim3A, %div3A_23 : vector<256x1xf32>
    %sub3A = vector.broadcast %div3A_24 : vector<256x1xf32> to vector<256x768xf32>
    %sub3A_25 = arith.subf %add3A_17, %sub3A : vector<256x768xf32>
    %integer_pow3A = arith.mulf %sub3A_25, %sub3A_25 : vector<256x768xf32>
    %reduce_sum3A_26 = arith.constant dense<0.000000e+00> : vector<256xf32>
    %reduce_sum3A_27 = vector.multi_reduction <add>, %integer_pow3A, %reduce_sum3A_26 [1] : vector<256x768xf32> to vector<256xf32>
    %broadcast_in_dim3A_28 = vector.shape_cast %reduce_sum3A_27 : vector<256xf32> to vector<256x1xf32>
    %div3A_29 = arith.constant 7.680000e+02 : f32
    %div3A_30 = vector.broadcast %div3A_29 : f32 to vector<256x1xf32>
    %div3A_31 = arith.divf %broadcast_in_dim3A_28, %div3A_30 : vector<256x1xf32>
    %sub3A_32 = vector.broadcast %div3A_24 : vector<256x1xf32> to vector<256x768xf32>
    %sub3A_33 = arith.subf %add3A_17, %sub3A_32 : vector<256x768xf32>
    %add3A_34 = arith.constant 9.99999974E-6 : f32
    %add3A_35 = vector.broadcast %add3A_34 : f32 to vector<256x1xf32>
    %add3A_36 = arith.addf %div3A_31, %add3A_35 : vector<256x1xf32>
    %sqrt3A = math.sqrt %add3A_36 : vector<256x1xf32>
    %div3A_37 = vector.broadcast %sqrt3A : vector<256x1xf32> to vector<256x768xf32>
    %div3A_38 = arith.divf %sub3A_33, %div3A_37 : vector<256x768xf32>
    %broadcast_in_dim3A_39 = vector.shape_cast %get3A_19 : vector<768xf32> to vector<1x768xf32>
    %mul3A_40 = vector.broadcast %broadcast_in_dim3A_39 : vector<1x768xf32> to vector<256x768xf32>
    %mul3A_41 = arith.mulf %div3A_38, %mul3A_40 : vector<256x768xf32>
    %broadcast_in_dim3A_42 = vector.shape_cast %get3A_21 : vector<768xf32> to vector<1x768xf32>
    %add3A_43 = vector.broadcast %broadcast_in_dim3A_42 : vector<1x768xf32> to vector<256x768xf32>
    %add3A_44 = arith.addf %mul3A_41, %add3A_43 : vector<256x768xf32>
    %swap3A = arith.constant 0 : index
    %swap3A_45 = arith.constant 0 : index
    %swap3A_46 = vector.load %arg8[%swap3A, %swap3A_45] : memref<256x768xf32, #tpu.memory_space<vmem>>, vector<256x768xf32>
    tpu.vector_store %arg8[%swap3A, %swap3A_45], %add3A_44 {strides = array<i32>} : memref<256x768xf32, #tpu.memory_space<vmem>>, vector<256x768xf32>,
    return
  }
  func.func @transform_0(%arg0: i32) -> (i32, i32) {
    %c0_i32 = arith.constant 0 : i32
    %c0_i32_0 = arith.constant 0 : i32
    return %arg0, %c0_i32 : i32, i32
  }
  func.func @transform_1(%arg0: i32) -> (i32, i32) {
    %c0_i32 = arith.constant 0 : i32
    %c0_i32_0 = arith.constant 0 : i32
    return %arg0, %c0_i32 : i32, i32
  }
  func.func @transform_2(%arg0: i32) -> (i32, i32) {
    %add3A = arith.constant 8 : i32
    %add3A_0 = arith.addi %arg0, %add3A : i32
    %c0_i32 = arith.constant 0 : i32
    %c0_i32_1 = arith.constant 0 : i32
    return %add3A_0, %c0_i32 : i32, i32
  }
  func.func @transform_3(%arg0: i32) -> (i32, i32) {
    %c0_i32 = arith.constant 0 : i32
    %c0_i32_0 = arith.constant 0 : i32
    return %arg0, %c0_i32 : i32, i32
  }
  func.func @transform_4(%arg0: i32) -> (i32, i32) {
    %c0_i32 = arith.constant 0 : i32
    %c0_i32_0 = arith.constant 0 : i32
    return %arg0, %c0_i32 : i32, i32
  }
  func.func @transform_5(%arg0: i32) -> i32 {
    %c0_i32 = arith.constant 0 : i32
    %c0_i32_0 = arith.constant 0 : i32
    return %c0_i32 : i32
  }
  func.func @transform_6(%arg0: i32) -> i32 {
    %c0_i32 = arith.constant 0 : i32
    %c0_i32_0 = arith.constant 0 : i32
    return %c0_i32 : i32
  }
  func.func @transform_7(%arg0: i32) -> (i32, i32) {
    %c0_i32 = arith.constant 0 : i32
    %c0_i32_0 = arith.constant 0 : i32
    return %arg0, %c0_i32 : i32, i32
  }
}

</mosaic_0001>

<sc_bundles>
// kernel: kernel.11.cloned.1.call-start
scs
__scs_entry_jumppad:
0x0: {  	(pc) =	sbr.rel $0x88, $3  }
0x1: {  	(tag) =	ssettag $0x0;
	lr =	simm.s32 $0x1  }
0x2: {  	[smem:$0x3F8B] =	sst lr;
	_ =	strace $0xD0000000  }
0x3: {  	_ = 	snop  }
0x4: {  	_ = 	snop  }
0x5: {  	_ = 	snop  }
0x6: {  	_ = 	snop  }
0x7: {  	_ = 	snop  }
__scs_overlays_trampoline_lowered:
0x8: {  	[smem:$0x3F9A] =	sst s0  }
0x9: {  	[smem:$0x3F9B] =	sst s1  }
0xa: {  	[smem:$0x3F9C] =	sst s2  }
0xb: {  	[smem:$0x3F9D] =	sst s3  }
0xc: {  	[smem:$0x3F9E] =	sst s4  }
0xd: {  	[smem:$0x3F9F] =	sst s5  }
0xe: {  	[smem:$0x3FA0] =	sst s6  }
0xf: {  	[smem:$0x3FA1] =	sst s7  }
0x10: {  	[smem:$0x3FA2] =	sst s8  }
0x11: {  	[smem:$0x3FA3] =	sst s9;
	s0 =	simm.s32 @!p0 $0x0  }
0x12: {  	s1 =	sld [smem:$0x3F89];
	s0 =	simm.s32 @p0 $0x1  }
0x13: {  	[smem:$0x3FA4] =	sst s0;
	s0 =	simm.s32 @!p1 $0x0  }
0x14: {  	s2 =	sld [smem:$0x3F88];
	s0 =	simm.s32 @p1 $0x1  }
0x15: {  	[smem:$0x3FA5] =	sst s0;
	s0 =	simm.s32 @!p2 $0x0  }
0x16: {  	s3 =	sld [smem:$0x3FDB];
	s0 =	simm.s32 @p2 $0x1  }
0x17: {  	s4 =	simm.s32 $0x1BF5;
	[smem:$0x3FA7] =	sst s0  }
0x18: {  	s0 =	sld [smem:$0x3F8A];
	_ =	swait.ge [sflag:s4], $0x0  }
0x19: {  	s7 =	sld [smem:$0x3F8B]  }
0x1a: {  	s8 =	sadd.s32 $0xFFFFE003, lr  }
0x1b: {  	s9 =	sadd.s32 $0xFFFFFEF7, lr;
	s5 =	simm.s32 $0xFFFFFFFF;
	p2 =	slt.u32 s8, $0xFFFFF086  }
0x1c: {  	p1 =	slt.u32 s9, $0xF7A;
	s5 =	simm.s32 @!p2 $0x0  }
0x1d: {  	s5 =	simm.s32 @p1 $0x1;
	p0 =	seq.s32 s7, s2  }
0x1e: {  	s7 =	smul.u32 @!p0 $0xF7A, s2;
	p2 =	seq.s32 @!p0 s5, $0x0  }
0x1f: {  	s9 =	smul.u32 $0xF7A, s1;
	s8 =	simm.s32 @!p0 $0x1BF5;
	p2 =	por !p2, p0  }
0x20: {  	[sflag:s8] =	ssyncset.s32 @!p0 $0xFFFFF086;
	s6 =	sadd.s32 @!p0 s3, s7;
	s7 =	simm.s32 @!p0 $0x108  }
0x21: {  	s3 =	sadd.s32 s3, s9;
	s6 =	sadd.s32 @!p0 $0x88, s6;
	s7 =	simm.s32 @p2 $0x1082  }
0x22: {  	[simem:s7], [sflag:s8] =	dma.local @!p0 [hbm:s6], $0xF7A  }
0x23: {  	s9 =	sor.u32 $0xD0000000, s2;
	s6 =	simm.s32 $0x108;
	_ =	swait.ge @!p0 [sflag:s8], $0x0  }
0x24: {  	s3 =	sadd.s32 $0x88, s3;
	s6 =	simm.s32 @!p1 $0x1082;
	[sflag:s4] =	ssyncset.s32 $0xFFFFF086  }
0x25: {  	[simem:s6], [sflag:s4] =	dma.local [hbm:s3], $0xF7A  }
0x26: {  	[smem:$0x3F8B] =	sst s1;
	(tag) =	ssettag s2;
	_ =	strace s9  }
0x27: {  	s1 =	sld [smem:$0x3F9B]  }
0x28: {  	s2 =	sld [smem:$0x3F9C]  }
0x29: {  	s4 =	sld [smem:$0x3F9E]  }
0x2a: {  	p0 =	seq.s32 s5, $0x0;
	s5 =	sld [smem:$0x3F9F]  }
0x2b: {  	s6 =	sld [smem:$0x3FA0]  }
0x2c: {  	s7 =	sld [smem:$0x3FA1]  }
0x2d: {  	s3 =	simm.s32 $0x108;
	s8 =	sld [smem:$0x3FA2]  }
0x2e: {  	s3 =	simm.s32 @!p0 $0x1082;
	s9 =	sld [smem:$0x3FA3]  }
0x2f: {  	lr =	sadd.s32 s0, s3;
	s0 =	sld [smem:$0x3F9A]  }
0x30: {  	s3 =	sld [smem:$0x3F9D]  }
0x31: {  	[smem:$0x3FA6] =	sst s10  }
0x32: {  	s10 =	sld [smem:$0x3FA4];
	_ =	sdelay $0x3  }
0x33: {  	p0 =	seq.s32 s10, $0x1;
	s10 =	sld [smem:$0x3FA6];
	_ =	sdelay $0x3  }
0x34: {  	[smem:$0x3FA6] =	sst s10  }
0x35: {  	s10 =	sld [smem:$0x3FA5];
	_ =	sdelay $0x3  }
0x36: {  	p1 =	seq.s32 s10, $0x1;
	s10 =	sld [smem:$0x3FA6];
	_ =	sdelay $0x3  }
0x37: {  	[smem:$0x3FA6] =	sst s10  }
0x38: {  	s10 =	sld [smem:$0x3FA7]  }
0x39: {  	_ = 	snop;
	(pc) =	sbr.ind lr, $3  }
0x3a: {  	_ = 	snop  }
0x3b: {  	_ = 	snop  }
0x3c: {  	p2 =	seq.s32 s10, $0x1;
	s10 =	sld [smem:$0x3FA6]  }
0x3d: {  	_ =	shalt  }
0x3e: {  	_ =	shalt  }
0x3f: {  	_ =	shalt  }
0x40: {  	_ =	shalt  }
0x41: {  	_ =	shalt  }
0x42: {  	_ =	shalt  }
0x43: {  	_ =	shalt  }
0x44: {  	_ =	shalt  }
0x45: {  	_ =	shalt  }
0x46: {  	_ =	shalt  }
0x47: {  	_ =	shalt  }
0x48: {  	_ =	shalt  }
0x49: {  	_ =	shalt  }
0x4a: {  	_ =	shalt  }
0x4b: {  	_ =	shalt  }
0x4c: {  	_ =	shalt  }
0x4d: {  	_ =	shalt  }
0x4e: {  	_ =	shalt  }
0x4f: {  	_ =	shalt  }
0x50: {  	_ =	shalt  }
0x51: {  	_ =	shalt  }
0x52: {  	_ =	shalt  }
0x53: {  	_ =	shalt  }
0x54: {  	_ =	shalt  }
0x55: {  	_ =	shalt  }
0x56: {  	_ =	shalt  }
0x57: {  	_ =	shalt  }
0x58: {  	_ =	shalt  }
0x59: {  	_ =	shalt  }
0x5a: {  	_ =	shalt  }
0x5b: {  	_ =	shalt  }
0x5c: {  	_ =	shalt  }
0x5d: {  	_ =	shalt  }
0x5e: {  	_ =	shalt  }
0x5f: {  	_ =	shalt  }
0x60: {  	_ =	shalt  }
0x61: {  	_ =	shalt  }
0x62: {  	_ =	shalt  }
0x63: {  	_ =	shalt  }
0x64: {  	_ =	shalt  }
0x65: {  	_ =	shalt  }
0x66: {  	_ =	shalt  }
0x67: {  	_ =	shalt  }
0x68: {  	_ =	shalt  }
0x69: {  	_ =	shalt  }
0x6a: {  	_ =	shalt  }
0x6b: {  	_ =	shalt  }
0x6c: {  	_ =	shalt  }
0x6d: {  	_ =	shalt  }
0x6e: {  	_ =	shalt  }
0x6f: {  	_ =	shalt  }
0x70: {  	_ =	shalt  }
0x71: {  	_ =	shalt  }
0x72: {  	_ =	shalt  }
0x73: {  	_ =	shalt  }
0x74: {  	_ =	shalt  }
0x75: {  	_ =	shalt  }
0x76: {  	_ =	shalt  }
0x77: {  	_ =	shalt  }
0x78: {  	_ =	shalt  }
0x79: {  	_ =	shalt  }
0x7a: {  	_ =	shalt  }
0x7b: {  	_ =	shalt  }
0x7c: {  	_ =	shalt  }
0x7d: {  	_ =	shalt  }
0x7e: {  	_ =	shalt  }
0x7f: {  	_ =	shalt  }
0x80: {  	_ =	shalt  }
0x81: {  	_ =	shalt  }
0x82: {  	_ =	shalt  }
0x83: {  	_ =	shalt  }
0x84: {  	_ =	shalt  }
0x85: {  	_ =	shalt  }
0x86: {  	_ =	shalt  }
0x87: {  	_ =	shalt  }
.Lfunc_end0:
.L_simem_size_0:
called_computation_lowered:
.L_overlay_start_0:
0x88: {  	s2 =	sld [smem:$0x3FD9]  }
0x89: {  	s3 =	sld [smem:$0x3FFE];
	_ =	sdelay $0x1  }
0x8a: {  	s1 =	srdreg.scid  }
0x8b: {  	s0 =	sand.u32 $0x1, s1  }
0x8c: {  	s17 =	sshll.u32 s0, $0xA;
	s2 =	sadd.s32 s3, s2  }
0x8d: {  	s2 =	sadd.s32 s2, s17  }
0x8e: {  	[smem:$0x3FB2] =	sst s2  }
0x8f: {  	_ = 	snop  }
0x90: {  	s2 =	sld [smem:$0x3FD0];
	(tm) =	ssettm $0x1  }
0x91: {  	s18 =	sld [smem:$0x3FFB];
	_ =	sdelay $0x3  }
0x92: {  	_ =	strace s18  }
0x93: {  	s3 =	sld [smem:$0x3FFC];
	_ =	sdelay $0x3  }
0x94: {  	_ =	strace s3  }
0x95: {  	s3 =	sld [smem:$0x3FFD];
	_ =	sdelay $0x3  }
0x96: {  	_ =	strace s3  }
0x97: {  	_ =	strace $0x8FFFFFFF  }
0x98: {  	s19 =	sld [smem:$0x3FDB];
	_ =	sdelay $0x1  }
0x99: {  	s4 =	simm.s32 $_scs_section_size  }
0x9a: {  	s5 =	simm.s32 $_size__tile_overlayer_lowered;
	s6 =	simm.s32 $_tile_overlayer_lowered  }
0x9b: {  	s22 =	simm.s32 $0x1BFF;
	s21 =	sshll.u32 s6, $0x1;
	s3 =	sadd.s32 s4, s19  }
0x9c: {  	s7 =	simm.s32 $0x0;
	s20 =	sshll.u32 s5, $0x1;
	s5 =	sadd.s32 s21, s3  }
0x9d: {  	[timem:s7], [sflag:s22] =	dma.local [hbm:s5], s20  }
0x9e: {  	_ =	swait.ge [sflag:s22], s20  }
0x9f: {  	s4 =	ssub.s32 $0x0, s20;
	[sflag:s22] =	ssyncset.done $0x0  }
0xa0: {  	[sflag:s22] =	ssyncadd.s32 s4;
	_ =	sdelay $0x1  }
0xa1: {  	s23 =	simm.s32 $0x1B8B  }
0xa2: {  	_ =	swait.ge [sflag:s23], $0x1  }
0xa3: {  	[sflag:s23] =	ssyncset.done $0x0  }
0xa4: {  	s25 =	simm.s32 $0x1B8E;
	s24 =	sld [smem:$0x3FFE];
	[sflag:s23] =	ssyncadd.s32 $0xFFFFFFFF  }
0xa5: {  	s26 =	simm.s32 $execute0_lowered;
	[smem:$0x3FD2] =	sst s25  }
0xa6: {  	s5 =	sshll.u32 s26, $0x1;
	_ =	strace $0x80000046;
	[dreg:$0x1] =	wrdreg $0xFFFFFFFF  }
0xa7: {  	s28 =	simm.s32 $_size_execute0_lowered;
	s3 =	sadd.s32 s3, s5;
	[dreg:$0x0] =	wrdreg $0x0  }
0xa8: {  	s5 =	sshll.u32 s28, $0x1;
	[dreg:$0x2] =	wrdreg s3  }
0xa9: {  	[dreg:$0x3] =	wrdreg s5  }
0xaa: {  	[dreg:$0x4] =	wrdreg $0xC0  }
0xab: {  	_ =	task [dreg:s7], $0x5FFFF  }
0xac: {  	[dreg:$0x1] =	wrdreg $0xFFFFFFFF  }
0xad: {  	[dreg:$0x0] =	wrdreg $0x60  }
0xae: {  	[dreg:$0x2] =	wrdreg s2  }
0xaf: {  	[dreg:$0x3] =	wrdreg s24  }
0xb0: {  	[dreg:$0x4] =	wrdreg $0x9  }
0xb1: {  	_ =	task.clear_ibuf [dreg:s7], $0x5FFFF;
	_ =	strace $0x90000046  }
0xb2: {  	s29 =	simm.s32 $0x9;
	_ =	strace $0x80000048  }
0xb3: {  	_ =	swait.ge [sflag:s29], $0x1  }
0xb4: {  	[sflag:s29] =	ssyncadd.s32 $0xFFFFFFFF  }
0xb5: {  	_ =	strace $0x90000048  }
0xb6: {  	_ =	sfence  }
0xb7: {  	s30 =	sld [smem:$0x0];
	_ =	sdelay $0x2  }
0xb8: {  	s31 =	sshll.u32 s1, $0xD;
	s1 =	sshrl.u32 s1, $0x2  }
0xb9: {  	s3 =	sand.u32 $0x4000, s31;
	s1 =	sadd.s32 s1, s30  }
0xba: {  	s0 =	sor.u32 s3, s0;
	s1 =	sshll.u32 s1, $0x11  }
0xbb: {  	s0 =	sor.u32 s1, s0  }
0xbc: {  	s0 =	sadd.s32 $0x8F2B, s0  }
0xbd: {  	[sflag:s0] =	ssyncadd.remote.s32 $0x1  }
0xbe: {  	_ =	sfence.sel $0xFFFF  }
0xbf: {  	[dreg:$0x0] =	wrdreg $0xFFFFFFFF;
	(pc) =	sbr.abs _section_cstart, $3  }
0xc0: {  	[dreg:$0x1] =	wrdreg $0xFFFFFFFF  }
0xc1: {  	_ =	task.clear_ibuf [dreg:s7], $0x2FFFF;
	_ =	strace $0x9FFFFFFF  }
0xc2: {  	(tm) =	ssettm $0x7FFFFFFF  }
0xc3: {  	_ =	shalt  }
tec
execute0_lowered:
.L_overlay_start_1:
0x0: {  	(tag) =	ssettag $0x1  }
0x1: {  	s1 =	srdreg.scid  }
0x2: {  	s0 =	stileid.u32;
	s1 =	sand.u32 $0x1, s1  }
0x3: {  	s3 =	rddreg [dreg:$0x0];
	s2 =	sshll.u32 s0, $0x5;
	s4 =	sshll.u32 s1, $0x4  }
0x4: {  	s5 =	rddreg [dreg:$0x1];
	s4 =	sor.u32 s4, s2;
	s2 =	simm.s32 $0x0  }
0x5: {  	s25 =	simm.s32 $0x880;
	[smem:$0x7FF] =	sst s2  }
0x6: {  	s26 =	simm.s32 $0x1080;
	_ =	strace $0x80000047;
	[dreg:$0x5] =	wrdreg s25  }
0x7: {  	s0 =	simm.s32 $0x1880;
	[dreg:$0x6] =	wrdreg s26  }
0x8: {  	s7 =	simm.s32 $0x3080;
	[dreg:$0x7] =	wrdreg s0  }
0x9: {  	s8 =	simm.s32 $0x3880;
	[dreg:$0xa] =	wrdreg s7  }
0xa: {  	s9 =	simm.s32 $0x4080;
	[dreg:$0xb] =	wrdreg s8  }
0xb: {  	s10 =	simm.s32 $0x4880;
	[dreg:$0xc] =	wrdreg s9  }
0xc: {  	s11 =	simm.s32 $0x5080;
	s12 =	simm.s32 $0x5880;
	[dreg:$0xd] =	wrdreg s10  }
0xd: {  	s13 =	simm.s32 $0x6080;
	s14 =	simm.s32 $0x6880;
	[dreg:$0xe] =	wrdreg s11  }
0xe: {  	s15 =	simm.s32 $0x7080;
	s16 =	simm.s32 $0x7880;
	[dreg:$0xf] =	wrdreg s12  }
0xf: {  	s17 =	simm.s32 $0x8080;
	s18 =	simm.s32 $0x8880;
	[dreg:$0x10] =	wrdreg s13  }
0x10: {  	s19 =	simm.s32 $0x9080;
	s21 =	simm.s32 $0x9880;
	[dreg:$0x11] =	wrdreg s14  }
0x11: {  	s22 =	simm.s32 $0xA080;
	s23 =	simm.s32 $0xA880;
	[dreg:$0x12] =	wrdreg s15  }
0x12: {  	s24 =	simm.s32 $0xB880;
	s28 =	simm.s32 $0x16080;
	[dreg:$0x13] =	wrdreg s16  }
0x13: {  	s29 =	simm.s32 $0x16880;
	s30 =	simm.s32 $0x17080;
	[dreg:$0x14] =	wrdreg s17  }
0x14: {  	s31 =	simm.s32 $0x17880;
	s1 =	ssub.s32 $0x2, s1;
	[dreg:$0x15] =	wrdreg s18  }
0x15: {  	s20 =	sshrl.u32 s1, $0x1;
	s6 =	sand.u32 $0xF0, s4;
	[dreg:$0x16] =	wrdreg s19  }
0x16: {  	s4 =	sadd.s32 s4, s5;
	s1 =	ssub.s32 s1, s20;
	[dreg:$0x17] =	wrdreg s21  }
0x17: {  	s20 =	simm.s32 $0x12880;
	s6 =	smul.u32 $0x300, s6;
	[dreg:$0x18] =	wrdreg s22  }
0x18: {  	s4 =	sadd.s32 $0x5A00, s4;
	[dreg:$0x19] =	wrdreg s23;
	s7 =	simm.s32 $0xB080  }
0x19: {  	[dreg:$0x1b] =	wrdreg s24;
	s25 =	simm.s32 $0xC080;
	s8 =	simm.s32 $0x80  }
0x1a: {  	s26 =	simm.s32 $0xC880;
	s10 =	simm.s32 $0xD880;
	s11 =	simm.s32 $0xE080  }
0x1b: {  	s12 =	simm.s32 $0xE880;
	s13 =	simm.s32 $0xF080;
	s14 =	simm.s32 $0xF880  }
0x1c: {  	s15 =	simm.s32 $0x10080;
	s16 =	simm.s32 $0x10880;
	s17 =	simm.s32 $0x11080  }
0x1d: {  	s18 =	simm.s32 $0x11880;
	s19 =	simm.s32 $0x12080;
	[dreg:$0x3] =	wrdreg s4  }
0x1e: {  	s21 =	simm.s32 $0x13080;
	s22 =	simm.s32 $0x13880;
	[dreg:$0x1a] =	wrdreg s7  }
0x1f: {  	s23 =	simm.s32 $0x14080;
	s24 =	simm.s32 $0x14880;
	[dreg:$0x1c] =	wrdreg s25  }
0x20: {  	s4 =	simm.s32 $0x2080;
	s7 =	simm.s32 $0x2;
	[dreg:$0x1d] =	wrdreg s26  }
0x21: {  	s25 =	simm.s32 $0x15080;
	s3 =	sadd.s32 s3, s6;
	[dreg:$0x8] =	wrdreg s4  }
0x22: {  	v2 =	vlaneseq.u32;
	s26 =	simm.s32 $0x15880;
	s6 =	simm.s32 $0x2880;
	[dreg:$0x4] =	wrdreg s3  }
0x23: {  	vm0 =	vmmov $0xffff;
	v1 =	vshrl.u32 v2, $0x3;
	s4 =	sadd.s32 $0x5D00, s5;
	[dreg:$0x9] =	wrdreg s6;
	s3 =	sadd.s32 $0x5C00, s5  }
0x24: {  	v0 =	vand.u32 $0x7, v2;
	v2 =	vor.u32 $0x8, v2;
	v1 =	vmul.u32 $0x8, v1;
	s5 =	sadd.s32 $0x5E00, s5;
	s6 =	smax.u32 s1, $0x1;
	s1 =	simm.s32 $0x1  }
.LBB2_1:
0x25: {  	s0 =	rddreg [dreg:$0x3]  }
0x26: {  	[tilespmem:s2], [sflag:$0x2] =	stream.linear.gather [hbm4b:s0+s2], $0x80, $0x38;
	[tilespmem:$0x18080] =	vst v63  }
0x27: {  	_ =	swait.ge [sflag:s7], $0x80  }
0x28: {  	[sflag:s7] =	ssyncset.done $0x0  }
0x29: {  	s9 =	rddreg [dreg:$0x4];
	[sflag:s7] =	ssyncadd.s32 $0xFFFFFF80  }
0x2a: {  	[tilespmem:s8], [sflag:$0x2] =	stream.linear.gather [hbm4b:s9+s2], $0x18000, $0x38;
	[tilespmem:$0x18080] =	vst v63  }
0x2b: {  	_ =	swait.ge [sflag:s7], $0x18000  }
0x2c: {  	[sflag:s7] =	ssyncset.done $0x0  }
0x2d: {  	[sflag:s7] =	ssyncadd.s32 $0xFFFE8000  }
0x2e: {  	v3 =	vld [tilespmem:$0x0];
	_ =	sdelay $0x4  }
0x2f: {  	v4 =	vshrl.u32 v3, $0x3  }
0x30: {  	v4 =	vmul.u32 $0x30, v4  }
0x31: {  	v3 =	vand.u32 $0x7, v3  }
0x32: {  	v3 =	vor.u32 v3, v4  }
0x33: {  	v4 =	vperm.xlane v3, v0;
	_ =	sdelay $0x1  }
0x34: {  	v4 =	vadd.s32 v1, v4;
	_ =	sdelay $0x3  }
0x35: {  	v3 =	vperm.xlane v3, v2  }
0x36: {  	[hbm4b:s3+s2] =	stream.indirect_vreg.scatter [tilespmem:s8], [sflag:$0x1], $0x80, v4, vm0, $0xb8;
	[tilespmem:$0x18080] =	vst v63  }
0x37: {  	s0 =	rddreg [dreg:$0x5];
	v3 =	vadd.s32 v1, v3  }
0x38: {  	[hbm4b:s4+s2] =	stream.indirect_vreg.scatter [tilespmem:s0], [sflag:$0x1], $0x80, v4, vm0, $0xb8;
	[tilespmem:$0x18080] =	vst v63  }
0x39: {  	s9 =	rddreg [dreg:$0x6]  }
0x3a: {  	[hbm4b:s5+s2] =	stream.indirect_vreg.scatter [tilespmem:s9], [sflag:$0x1], $0x80, v4, vm0, $0xb8;
	[tilespmem:$0x18080] =	vst v63  }
0x3b: {  	s0 =	rddreg [dreg:$0x7]  }
0x3c: {  	[hbm4b:s3+s2] =	stream.indirect_vreg.scatter [tilespmem:s0], [sflag:$0x1], $0x80, v3, vm0, $0xb8;
	[tilespmem:$0x18080] =	vst v63  }
0x3d: {  	s9 =	rddreg [dreg:$0x8]  }
0x3e: {  	[hbm4b:s4+s2] =	stream.indirect_vreg.scatter [tilespmem:s9], [sflag:$0x1], $0x80, v3, vm0, $0xb8;
	[tilespmem:$0x18080] =	vst v63  }
0x3f: {  	s0 =	rddreg [dreg:$0x9]  }
0x40: {  	[hbm4b:s5+s2] =	stream.indirect_vreg.scatter [tilespmem:s0], [sflag:$0x1], $0x80, v3, vm0, $0xb8;
	[tilespmem:$0x18080] =	vst v63  }
0x41: {  	v3 =	vld [tilespmem:$0x10];
	_ =	sdelay $0x4  }
0x42: {  	v57 =	vshrl.u32 v3, $0x3  }
0x43: {  	v4 =	vmul.u32 $0x30, v57  }
0x44: {  	v3 =	vand.u32 $0x7, v3  }
0x45: {  	v3 =	vor.u32 v3, v4  }
0x46: {  	v4 =	vperm.xlane v3, v0;
	_ =	sdelay $0x1  }
0x47: {  	v4 =	vadd.s32 v1, v4;
	_ =	sdelay $0x3  }
0x48: {  	s0 =	rddreg [dreg:$0xa];
	v3 =	vperm.xlane v3, v2  }
0x49: {  	[hbm4b:s3+s2] =	stream.indirect_vreg.scatter [tilespmem:s0], [sflag:$0x1], $0x80, v4, vm0, $0xb8;
	[tilespmem:$0x18080] =	vst v63  }
0x4a: {  	s9 =	rddreg [dreg:$0xb];
	v3 =	vadd.s32 v1, v3  }
0x4b: {  	[hbm4b:s4+s2] =	stream.indirect_vreg.scatter [tilespmem:s9], [sflag:$0x1], $0x80, v4, vm0, $0xb8;
	[tilespmem:$0x18080] =	vst v63  }
0x4c: {  	s0 =	rddreg [dreg:$0xc]  }
0x4d: {  	[hbm4b:s5+s2] =	stream.indirect_vreg.scatter [tilespmem:s0], [sflag:$0x1], $0x80, v4, vm0, $0xb8;
	[tilespmem:$0x18080] =	vst v63  }
0x4e: {  	s9 =	rddreg [dreg:$0xd]  }
0x4f: {  	[hbm4b:s3+s2] =	stream.indirect_vreg.scatter [tilespmem:s9], [sflag:$0x1], $0x80, v3, vm0, $0xb8;
	[tilespmem:$0x18080] =	vst v63  }
0x50: {  	s0 =	rddreg [dreg:$0xe]  }
0x51: {  	[hbm4b:s4+s2] =	stream.indirect_vreg.scatter [tilespmem:s0], [sflag:$0x1], $0x80, v3, vm0, $0xb8;
	[tilespmem:$0x18080] =	vst v63  }
0x52: {  	s9 =	rddreg [dreg:$0xf]  }
0x53: {  	[hbm4b:s5+s2] =	stream.indirect_vreg.scatter [tilespmem:s9], [sflag:$0x1], $0x80, v3, vm0, $0xb8;
	[tilespmem:$0x18080] =	vst v63  }
0x54: {  	v3 =	vld [tilespmem:$0x20];
	_ =	sdelay $0x4  }
0x55: {  	v58 =	vshrl.u32 v3, $0x3  }
0x56: {  	v4 =	vmul.u32 $0x30, v58  }
0x57: {  	v3 =	vand.u32 $0x7, v3  }
0x58: {  	v3 =	vor.u32 v3, v4  }
0x59: {  	v4 =	vperm.xlane v3, v0;
	_ =	sdelay $0x1  }
0x5a: {  	v4 =	vadd.s32 v1, v4;
	_ =	sdelay $0x3  }
0x5b: {  	s0 =	rddreg [dreg:$0x10];
	v3 =	vperm.xlane v3, v2  }
0x5c: {  	[hbm4b:s3+s2] =	stream.indirect_vreg.scatter [tilespmem:s0], [sflag:$0x1], $0x80, v4, vm0, $0xb8;
	[tilespmem:$0x18080] =	vst v63  }
0x5d: {  	s9 =	rddreg [dreg:$0x11];
	v3 =	vadd.s32 v1, v3  }
0x5e: {  	[hbm4b:s4+s2] =	stream.indirect_vreg.scatter [tilespmem:s9], [sflag:$0x1], $0x80, v4, vm0, $0xb8;
	[tilespmem:$0x18080] =	vst v63  }
0x5f: {  	s0 =	rddreg [dreg:$0x12]  }
0x60: {  	[hbm4b:s5+s2] =	stream.indirect_vreg.scatter [tilespmem:s0], [sflag:$0x1], $0x80, v4, vm0, $0xb8;
	[tilespmem:$0x18080] =	vst v63  }
0x61: {  	s9 =	rddreg [dreg:$0x13]  }
0x62: {  	[hbm4b:s3+s2] =	stream.indirect_vreg.scatter [tilespmem:s9], [sflag:$0x1], $0x80, v3, vm0, $0xb8;
	[tilespmem:$0x18080] =	vst v63  }
0x63: {  	s0 =	rddreg [dreg:$0x14]  }
0x64: {  	[hbm4b:s4+s2] =	stream.indirect_vreg.scatter [tilespmem:s0], [sflag:$0x1], $0x80, v3, vm0, $0xb8;
	[tilespmem:$0x18080] =	vst v63  }
0x65: {  	s9 =	rddreg [dreg:$0x15]  }
0x66: {  	[hbm4b:s5+s2] =	stream.indirect_vreg.scatter [tilespmem:s9], [sflag:$0x1], $0x80, v3, vm0, $0xb8;
	[tilespmem:$0x18080] =	vst v63  }
0x67: {  	v3 =	vld [tilespmem:$0x30];
	_ =	sdelay $0x4  }
0x68: {  	v59 =	vshrl.u32 v3, $0x3  }
0x69: {  	v4 =	vmul.u32 $0x30, v59  }
0x6a: {  	v3 =	vand.u32 $0x7, v3  }
0x6b: {  	v3 =	vor.u32 v3, v4  }
0x6c: {  	v4 =	vperm.xlane v3, v0;
	_ =	sdelay $0x1  }
0x6d: {  	v4 =	vadd.s32 v1, v4;
	_ =	sdelay $0x3  }
0x6e: {  	s0 =	rddreg [dreg:$0x16];
	v3 =	vperm.xlane v3, v2  }
0x6f: {  	[hbm4b:s3+s2] =	stream.indirect_vreg.scatter [tilespmem:s0], [sflag:$0x1], $0x80, v4, vm0, $0xb8;
	[tilespmem:$0x18080] =	vst v63  }
0x70: {  	s9 =	rddreg [dreg:$0x17];
	v3 =	vadd.s32 v1, v3  }
0x71: {  	[hbm4b:s4+s2] =	stream.indirect_vreg.scatter [tilespmem:s9], [sflag:$0x1], $0x80, v4, vm0, $0xb8;
	[tilespmem:$0x18080] =	vst v63  }
0x72: {  	s0 =	rddreg [dreg:$0x18]  }
0x73: {  	[hbm4b:s5+s2] =	stream.indirect_vreg.scatter [tilespmem:s0], [sflag:$0x1], $0x80, v4, vm0, $0xb8;
	[tilespmem:$0x18080] =	vst v63  }
0x74: {  	s9 =	rddreg [dreg:$0x19]  }
0x75: {  	[hbm4b:s3+s2] =	stream.indirect_vreg.scatter [tilespmem:s9], [sflag:$0x1], $0x80, v3, vm0, $0xb8;
	[tilespmem:$0x18080] =	vst v63  }
0x76: {  	s0 =	rddreg [dreg:$0x1a]  }
0x77: {  	[hbm4b:s4+s2] =	stream.indirect_vreg.scatter [tilespmem:s0], [sflag:$0x1], $0x80, v3, vm0, $0xb8;
	[tilespmem:$0x18080] =	vst v63  }
0x78: {  	s9 =	rddreg [dreg:$0x1b]  }
0x79: {  	[hbm4b:s5+s2] =	stream.indirect_vreg.scatter [tilespmem:s9], [sflag:$0x1], $0x80, v3, vm0, $0xb8;
	[tilespmem:$0x18080] =	vst v63  }
0x7a: {  	v3 =	vld [tilespmem:$0x40];
	_ =	sdelay $0x4  }
0x7b: {  	v60 =	vshrl.u32 v3, $0x3  }
0x7c: {  	v4 =	vmul.u32 $0x30, v60  }
0x7d: {  	v3 =	vand.u32 $0x7, v3  }
0x7e: {  	v3 =	vor.u32 v3, v4  }
0x7f: {  	v4 =	vperm.xlane v3, v0;
	_ =	sdelay $0x1  }
0x80: {  	v4 =	vadd.s32 v1, v4;
	_ =	sdelay $0x3  }
0x81: {  	s0 =	rddreg [dreg:$0x1c];
	v3 =	vperm.xlane v3, v2  }
0x82: {  	[hbm4b:s3+s2] =	stream.indirect_vreg.scatter [tilespmem:s0], [sflag:$0x1], $0x80, v4, vm0, $0xb8;
	[tilespmem:$0x18080] =	vst v63  }
0x83: {  	s9 =	rddreg [dreg:$0x1d];
	v3 =	vadd.s32 v1, v3  }
0x84: {  	[hbm4b:s4+s2] =	stream.indirect_vreg.scatter [tilespmem:s9], [sflag:$0x1], $0x80, v4, vm0, $0xb8;
	[tilespmem:$0x18080] =	vst v63  }
0x85: {  	s9 =	simm.s32 $0xD080  }
0x86: {  	[hbm4b:s5+s2] =	stream.indirect_vreg.scatter [tilespmem:s9], [sflag:$0x1], $0x80, v4, vm0, $0xb8;
	[tilespmem:$0x18080] =	vst v63  }
0x87: {  	_ = 	snop  }
0x88: {  	[hbm4b:s3+s2] =	stream.indirect_vreg.scatter [tilespmem:s10], [sflag:$0x1], $0x80, v3, vm0, $0xb8;
	[tilespmem:$0x18080] =	vst v63  }
0x89: {  	_ = 	snop  }
0x8a: {  	[hbm4b:s4+s2] =	stream.indirect_vreg.scatter [tilespmem:s11], [sflag:$0x1], $0x80, v3, vm0, $0xb8;
	[tilespmem:$0x18080] =	vst v63  }
0x8b: {  	_ = 	snop  }
0x8c: {  	[hbm4b:s5+s2] =	stream.indirect_vreg.scatter [tilespmem:s12], [sflag:$0x1], $0x80, v3, vm0, $0xb8;
	[tilespmem:$0x18080] =	vst v63  }
0x8d: {  	v3 =	vld [tilespmem:$0x50];
	_ =	sdelay $0x4  }
0x8e: {  	v61 =	vshrl.u32 v3, $0x3  }
0x8f: {  	v4 =	vmul.u32 $0x30, v61  }
0x90: {  	v3 =	vand.u32 $0x7, v3  }
0x91: {  	v3 =	vor.u32 v3, v4  }
0x92: {  	v4 =	vperm.xlane v3, v0;
	_ =	sdelay $0x1  }
0x93: {  	v4 =	vadd.s32 v1, v4;
	_ =	sdelay $0x3  }
0x94: {  	v3 =	vperm.xlane v3, v2  }
0x95: {  	[hbm4b:s3+s2] =	stream.indirect_vreg.scatter [tilespmem:s13], [sflag:$0x1], $0x80, v4, vm0, $0xb8;
	[tilespmem:$0x18080] =	vst v63  }
0x96: {  	v3 =	vadd.s32 v1, v3  }
0x97: {  	[hbm4b:s4+s2] =	stream.indirect_vreg.scatter [tilespmem:s14], [sflag:$0x1], $0x80, v4, vm0, $0xb8;
	[tilespmem:$0x18080] =	vst v63  }
0x98: {  	_ = 	snop  }
0x99: {  	[hbm4b:s5+s2] =	stream.indirect_vreg.scatter [tilespmem:s15], [sflag:$0x1], $0x80, v4, vm0, $0xb8;
	[tilespmem:$0x18080] =	vst v63  }
0x9a: {  	_ = 	snop  }
0x9b: {  	[hbm4b:s3+s2] =	stream.indirect_vreg.scatter [tilespmem:s16], [sflag:$0x1], $0x80, v3, vm0, $0xb8;
	[tilespmem:$0x18080] =	vst v63  }
0x9c: {  	_ = 	snop  }
0x9d: {  	[hbm4b:s4+s2] =	stream.indirect_vreg.scatter [tilespmem:s17], [sflag:$0x1], $0x80, v3, vm0, $0xb8;
	[tilespmem:$0x18080] =	vst v63  }
0x9e: {  	_ = 	snop  }
0x9f: {  	[hbm4b:s5+s2] =	stream.indirect_vreg.scatter [tilespmem:s18], [sflag:$0x1], $0x80, v3, vm0, $0xb8;
	[tilespmem:$0x18080] =	vst v63  }
0xa0: {  	v3 =	vld [tilespmem:$0x60];
	_ =	sdelay $0x4  }
0xa1: {  	v62 =	vshrl.u32 v3, $0x3  }
0xa2: {  	v4 =	vmul.u32 $0x30, v62  }
0xa3: {  	v3 =	vand.u32 $0x7, v3  }
0xa4: {  	v3 =	vor.u32 v3, v4  }
0xa5: {  	v4 =	vperm.xlane v3, v0;
	_ =	sdelay $0x1  }
0xa6: {  	v4 =	vadd.s32 v1, v4;
	_ =	sdelay $0x3  }
0xa7: {  	v3 =	vperm.xlane v3, v2  }
0xa8: {  	[hbm4b:s3+s2] =	stream.indirect_vreg.scatter [tilespmem:s19], [sflag:$0x1], $0x80, v4, vm0, $0xb8;
	[tilespmem:$0x18080] =	vst v63  }
0xa9: {  	v3 =	vadd.s32 v1, v3  }
0xaa: {  	[hbm4b:s4+s2] =	stream.indirect_vreg.scatter [tilespmem:s20], [sflag:$0x1], $0x80, v4, vm0, $0xb8;
	[tilespmem:$0x18080] =	vst v63  }
0xab: {  	_ = 	snop  }
0xac: {  	[hbm4b:s5+s2] =	stream.indirect_vreg.scatter [tilespmem:s21], [sflag:$0x1], $0x80, v4, vm0, $0xb8;
	[tilespmem:$0x18080] =	vst v63  }
0xad: {  	_ = 	snop  }
0xae: {  	[hbm4b:s3+s2] =	stream.indirect_vreg.scatter [tilespmem:s22], [sflag:$0x1], $0x80, v3, vm0, $0xb8;
	[tilespmem:$0x18080] =	vst v63  }
0xaf: {  	_ = 	snop  }
0xb0: {  	[hbm4b:s4+s2] =	stream.indirect_vreg.scatter [tilespmem:s23], [sflag:$0x1], $0x80, v3, vm0, $0xb8;
	[tilespmem:$0x18080] =	vst v63  }
0xb1: {  	_ = 	snop  }
0xb2: {  	[hbm4b:s5+s2] =	stream.indirect_vreg.scatter [tilespmem:s24], [sflag:$0x1], $0x80, v3, vm0, $0xb8;
	[tilespmem:$0x18080] =	vst v63  }
0xb3: {  	v3 =	vld [tilespmem:$0x70];
	_ =	sdelay $0x4  }
0xb4: {  	v63 =	vshrl.u32 v3, $0x3  }
0xb5: {  	v4 =	vmul.u32 $0x30, v63  }
0xb6: {  	v3 =	vand.u32 $0x7, v3  }
0xb7: {  	v3 =	vor.u32 v3, v4  }
0xb8: {  	v4 =	vperm.xlane v3, v0;
	_ =	sdelay $0x1  }
0xb9: {  	v4 =	vadd.s32 v1, v4;
	_ =	sdelay $0x3  }
0xba: {  	v3 =	vperm.xlane v3, v2  }
0xbb: {  	[hbm4b:s3+s2] =	stream.indirect_vreg.scatter [tilespmem:s25], [sflag:$0x1], $0x80, v4, vm0, $0xb8;
	[tilespmem:$0x18080] =	vst v63  }
0xbc: {  	v3 =	vadd.s32 v1, v3  }
0xbd: {  	[hbm4b:s4+s2] =	stream.indirect_vreg.scatter [tilespmem:s26], [sflag:$0x1], $0x80, v4, vm0, $0xb8;
	[tilespmem:$0x18080] =	vst v63  }
0xbe: {  	_ = 	snop  }
0xbf: {  	[hbm4b:s5+s2] =	stream.indirect_vreg.scatter [tilespmem:s28], [sflag:$0x1], $0x80, v4, vm0, $0xb8;
	[tilespmem:$0x18080] =	vst v63  }
0xc0: {  	_ = 	snop  }
0xc1: {  	[hbm4b:s3+s2] =	stream.indirect_vreg.scatter [tilespmem:s29], [sflag:$0x1], $0x80, v3, vm0, $0xb8;
	[tilespmem:$0x18080] =	vst v63  }
0xc2: {  	p0 =	sne.s32 s6, $0x1  }
0xc3: {  	[hbm4b:s4+s2] =	stream.indirect_vreg.scatter [tilespmem:s30], [sflag:$0x1], $0x80, v3, vm0, $0xb8;
	[tilespmem:$0x18080] =	vst v63  }
.Ltmp0:
0xc4: {  	_ = 	snop;
	(pc) =	sbr.rel @p0 .LBB2_1-.Ltmp0, $4  }
0xc5: {  	[hbm4b:s5+s2] =	stream.indirect_vreg.scatter [tilespmem:s31], [sflag:$0x1], $0x80, v3, vm0, $0xb8;
	[tilespmem:$0x18080] =	vst v63  }
0xc6: {  	_ =	swait.ge [sflag:s1], $0x18000  }
0xc7: {  	[sflag:s1] =	ssyncset.done $0x0  }
0xc8: {  	s6 =	sadd.s32 $0xFFFFFFFF, s6;
	[sflag:s1] =	ssyncadd.s32 $0xFFFE8000  }
0xc9: {  	_ =	sfence.sel $0x180000  }
0xca: {  	[bflag:$0x0] =	sbarrier.arrive $0xFFFF  }
0xcb: {  	_ =	strace $0x90000047  }
0xcc: {  	s0 =	stileid.u32;
	[bflag:$0x2] =	sbarrier.arrive $0xFFFF  }
0xcd: {  	p0 =	sne.s32 s0, $0x0;
	s0 =	rddreg [dreg:$0x2]  }
0xce: {  	s0 =	sadd.s32 @!p0 $0x100000, s0  }
0xcf: {  	[sflag:s0] =	ssyncadd.tile.s32 @!p0 $0x1;
	_ =	shalt  }
.Lfunc_end2:
_tile_overlayer_lowered:
.L_overlay_start_2:
0xd0: {  	(tag) =	ssettag $0x2  }
0xd1: {  	s0 =	rddreg [dreg:$0x0];
	s2 =	stileid.u32  }
0xd2: {  	s1 =	rddreg [dreg:$0x1];
	p0 =	sne.s32 s2, $0x0  }
0xd3: {  	s3 =	rddreg [dreg:$0x2];
	[bflag:$0x3] =	sbarrier.arrive $0xFFFF;
	s2 =	simm.s32 @!p0 $0x1C02  }
0xd4: {  	[timem:s3], [sflag:s2] =	dma.local @!p0 [hbm:s0], s1  }
0xd5: {  	s0 =	simm.s32 @!p0 $0x2  }
0xd6: {  	_ =	swait.ge @!p0 [sflag:s0], s1  }
0xd7: {  	s1 =	ssub.s32 @!p0 $0x0, s1;
	[sflag:s0] =	ssyncset.done @!p0 $0x0  }
0xd8: {  	[sflag:s0] =	ssyncadd.s32 @!p0 s1  }
0xd9: {  	[bflag:$0x3] =	sbarrier.arrive $0xFFFF  }
0xda: {  	_ =	shalt  }

// kernel: kernel.14.cloned.1.call-start
scs
__scs_entry_jumppad:
0x0: {  	(pc) =	sbr.rel $0x88, $3  }
0x1: {  	(tag) =	ssettag $0x0;
	lr =	simm.s32 $0x1  }
0x2: {  	[smem:$0x3F8B] =	sst lr;
	_ =	strace $0xD0000000  }
0x3: {  	_ = 	snop  }
0x4: {  	_ = 	snop  }
0x5: {  	_ = 	snop  }
0x6: {  	_ = 	snop  }
0x7: {  	_ = 	snop  }
__scs_overlays_trampoline_lowered:
0x8: {  	[smem:$0x3F9A] =	sst s0  }
0x9: {  	[smem:$0x3F9B] =	sst s1  }
0xa: {  	[smem:$0x3F9C] =	sst s2  }
0xb: {  	[smem:$0x3F9D] =	sst s3  }
0xc: {  	[smem:$0x3F9E] =	sst s4  }
0xd: {  	[smem:$0x3F9F] =	sst s5  }
0xe: {  	[smem:$0x3FA0] =	sst s6  }
0xf: {  	[smem:$0x3FA1] =	sst s7  }
0x10: {  	[smem:$0x3FA2] =	sst s8  }
0x11: {  	[smem:$0x3FA3] =	sst s9;
	s0 =	simm.s32 @!p0 $0x0  }
0x12: {  	s1 =	sld [smem:$0x3F89];
	s0 =	simm.s32 @p0 $0x1  }
0x13: {  	[smem:$0x3FA4] =	sst s0;
	s0 =	simm.s32 @!p1 $0x0  }
0x14: {  	s2 =	sld [smem:$0x3F88];
	s0 =	simm.s32 @p1 $0x1  }
0x15: {  	[smem:$0x3FA5] =	sst s0;
	s0 =	simm.s32 @!p2 $0x0  }
0x16: {  	s3 =	sld [smem:$0x3FDB];
	s0 =	simm.s32 @p2 $0x1  }
0x17: {  	s4 =	simm.s32 $0x1BF5;
	[smem:$0x3FA7] =	sst s0  }
0x18: {  	s0 =	sld [smem:$0x3F8A];
	_ =	swait.ge [sflag:s4], $0x0  }
0x19: {  	s7 =	sld [smem:$0x3F8B]  }
0x1a: {  	s8 =	sadd.s32 $0xFFFFE003, lr  }
0x1b: {  	s9 =	sadd.s32 $0xFFFFFEF7, lr;
	s5 =	simm.s32 $0xFFFFFFFF;
	p2 =	slt.u32 s8, $0xFFFFF086  }
0x1c: {  	p1 =	slt.u32 s9, $0xF7A;
	s5 =	simm.s32 @!p2 $0x0  }
0x1d: {  	s5 =	simm.s32 @p1 $0x1;
	p0 =	seq.s32 s7, s2  }
0x1e: {  	s7 =	smul.u32 @!p0 $0xF7A, s2;
	p2 =	seq.s32 @!p0 s5, $0x0  }
0x1f: {  	s9 =	smul.u32 $0xF7A, s1;
	s8 =	simm.s32 @!p0 $0x1BF5;
	p2 =	por !p2, p0  }
0x20: {  	[sflag:s8] =	ssyncset.s32 @!p0 $0xFFFFF086;
	s6 =	sadd.s32 @!p0 s3, s7;
	s7 =	simm.s32 @!p0 $0x108  }
0x21: {  	s3 =	sadd.s32 s3, s9;
	s6 =	sadd.s32 @!p0 $0x88, s6;
	s7 =	simm.s32 @p2 $0x1082  }
0x22: {  	[simem:s7], [sflag:s8] =	dma.local @!p0 [hbm:s6], $0xF7A  }
0x23: {  	s9 =	sor.u32 $0xD0000000, s2;
	s6 =	simm.s32 $0x108;
	_ =	swait.ge @!p0 [sflag:s8], $0x0  }
0x24: {  	s3 =	sadd.s32 $0x88, s3;
	s6 =	simm.s32 @!p1 $0x1082;
	[sflag:s4] =	ssyncset.s32 $0xFFFFF086  }
0x25: {  	[simem:s6], [sflag:s4] =	dma.local [hbm:s3], $0xF7A  }
0x26: {  	[smem:$0x3F8B] =	sst s1;
	(tag) =	ssettag s2;
	_ =	strace s9  }
0x27: {  	s1 =	sld [smem:$0x3F9B]  }
0x28: {  	s2 =	sld [smem:$0x3F9C]  }
0x29: {  	s4 =	sld [smem:$0x3F9E]  }
0x2a: {  	p0 =	seq.s32 s5, $0x0;
	s5 =	sld [smem:$0x3F9F]  }
0x2b: {  	s6 =	sld [smem:$0x3FA0]  }
0x2c: {  	s7 =	sld [smem:$0x3FA1]  }
0x2d: {  	s3 =	simm.s32 $0x108;
	s8 =	sld [smem:$0x3FA2]  }
0x2e: {  	s3 =	simm.s32 @!p0 $0x1082;
	s9 =	sld [smem:$0x3FA3]  }
0x2f: {  	lr =	sadd.s32 s0, s3;
	s0 =	sld [smem:$0x3F9A]  }
0x30: {  	s3 =	sld [smem:$0x3F9D]  }
0x31: {  	[smem:$0x3FA6] =	sst s10  }
0x32: {  	s10 =	sld [smem:$0x3FA4];
	_ =	sdelay $0x3  }
0x33: {  	p0 =	seq.s32 s10, $0x1;
	s10 =	sld [smem:$0x3FA6];
	_ =	sdelay $0x3  }
0x34: {  	[smem:$0x3FA6] =	sst s10  }
0x35: {  	s10 =	sld [smem:$0x3FA5];
	_ =	sdelay $0x3  }
0x36: {  	p1 =	seq.s32 s10, $0x1;
	s10 =	sld [smem:$0x3FA6];
	_ =	sdelay $0x3  }
0x37: {  	[smem:$0x3FA6] =	sst s10  }
0x38: {  	s10 =	sld [smem:$0x3FA7]  }
0x39: {  	_ = 	snop;
	(pc) =	sbr.ind lr, $3  }
0x3a: {  	_ = 	snop  }
0x3b: {  	_ = 	snop  }
0x3c: {  	p2 =	seq.s32 s10, $0x1;
	s10 =	sld [smem:$0x3FA6]  }
0x3d: {  	_ =	shalt  }
0x3e: {  	_ =	shalt  }
0x3f: {  	_ =	shalt  }
0x40: {  	_ =	shalt  }
0x41: {  	_ =	shalt  }
0x42: {  	_ =	shalt  }
0x43: {  	_ =	shalt  }
0x44: {  	_ =	shalt  }
0x45: {  	_ =	shalt  }
0x46: {  	_ =	shalt  }
0x47: {  	_ =	shalt  }
0x48: {  	_ =	shalt  }
0x49: {  	_ =	shalt  }
0x4a: {  	_ =	shalt  }
0x4b: {  	_ =	shalt  }
0x4c: {  	_ =	shalt  }
0x4d: {  	_ =	shalt  }
0x4e: {  	_ =	shalt  }
0x4f: {  	_ =	shalt  }
0x50: {  	_ =	shalt  }
0x51: {  	_ =	shalt  }
0x52: {  	_ =	shalt  }
0x53: {  	_ =	shalt  }
0x54: {  	_ =	shalt  }
0x55: {  	_ =	shalt  }
0x56: {  	_ =	shalt  }
0x57: {  	_ =	shalt  }
0x58: {  	_ =	shalt  }
0x59: {  	_ =	shalt  }
0x5a: {  	_ =	shalt  }
0x5b: {  	_ =	shalt  }
0x5c: {  	_ =	shalt  }
0x5d: {  	_ =	shalt  }
0x5e: {  	_ =	shalt  }
0x5f: {  	_ =	shalt  }
0x60: {  	_ =	shalt  }
0x61: {  	_ =	shalt  }
0x62: {  	_ =	shalt  }
0x63: {  	_ =	shalt  }
0x64: {  	_ =	shalt  }
0x65: {  	_ =	shalt  }
0x66: {  	_ =	shalt  }
0x67: {  	_ =	shalt  }
0x68: {  	_ =	shalt  }
0x69: {  	_ =	shalt  }
0x6a: {  	_ =	shalt  }
0x6b: {  	_ =	shalt  }
0x6c: {  	_ =	shalt  }
0x6d: {  	_ =	shalt  }
0x6e: {  	_ =	shalt  }
0x6f: {  	_ =	shalt  }
0x70: {  	_ =	shalt  }
0x71: {  	_ =	shalt  }
0x72: {  	_ =	shalt  }
0x73: {  	_ =	shalt  }
0x74: {  	_ =	shalt  }
0x75: {  	_ =	shalt  }
0x76: {  	_ =	shalt  }
0x77: {  	_ =	shalt  }
0x78: {  	_ =	shalt  }
0x79: {  	_ =	shalt  }
0x7a: {  	_ =	shalt  }
0x7b: {  	_ =	shalt  }
0x7c: {  	_ =	shalt  }
0x7d: {  	_ =	shalt  }
0x7e: {  	_ =	shalt  }
0x7f: {  	_ =	shalt  }
0x80: {  	_ =	shalt  }
0x81: {  	_ =	shalt  }
0x82: {  	_ =	shalt  }
0x83: {  	_ =	shalt  }
0x84: {  	_ =	shalt  }
0x85: {  	_ =	shalt  }
0x86: {  	_ =	shalt  }
0x87: {  	_ =	shalt  }
.Lfunc_end0:
.L_simem_size_0:
called_computation.1_lowered:
.L_overlay_start_0:
0x88: {  	s2 =	sld [smem:$0x3FD9]  }
0x89: {  	s3 =	sld [smem:$0x3FFE];
	_ =	sdelay $0x1  }
0x8a: {  	s1 =	srdreg.scid  }
0x8b: {  	s0 =	sand.u32 $0x1, s1  }
0x8c: {  	s16 =	sshll.u32 s0, $0xA;
	s2 =	sadd.s32 s3, s2  }
0x8d: {  	s2 =	sadd.s32 s2, s16  }
0x8e: {  	[smem:$0x3FB2] =	sst s2  }
0x8f: {  	_ = 	snop  }
0x90: {  	(tm) =	ssettm $0x1  }
0x91: {  	s17 =	sld [smem:$0x3FFB];
	_ =	sdelay $0x3  }
0x92: {  	_ =	strace s17  }
0x93: {  	s2 =	sld [smem:$0x3FFC];
	_ =	sdelay $0x3  }
0x94: {  	_ =	strace s2  }
0x95: {  	s2 =	sld [smem:$0x3FFD];
	_ =	sdelay $0x3  }
0x96: {  	_ =	strace s2  }
0x97: {  	_ =	strace $0x8FFFFFFF  }
0x98: {  	s18 =	sld [smem:$0x3FDB];
	_ =	sdelay $0x1  }
0x99: {  	s19 =	simm.s32 $_scs_section_size  }
0x9a: {  	s4 =	simm.s32 $_size__tile_overlayer_lowered;
	s5 =	simm.s32 $_tile_overlayer_lowered  }
0x9b: {  	s22 =	simm.s32 $0x1BFF;
	s21 =	sshll.u32 s5, $0x1;
	s2 =	sadd.s32 s19, s18  }
0x9c: {  	s6 =	simm.s32 $0x0;
	s20 =	sshll.u32 s4, $0x1;
	s4 =	sadd.s32 s21, s2  }
0x9d: {  	[timem:s6], [sflag:s22] =	dma.local [hbm:s4], s20  }
0x9e: {  	_ =	swait.ge [sflag:s22], s20  }
0x9f: {  	s3 =	ssub.s32 $0x0, s20;
	[sflag:s22] =	ssyncset.done $0x0  }
0xa0: {  	[sflag:s22] =	ssyncadd.s32 s3;
	_ =	sdelay $0x1  }
0xa1: {  	s23 =	simm.s32 $0x1B8B  }
0xa2: {  	_ =	swait.ge [sflag:s23], $0x1  }
0xa3: {  	[sflag:s23] =	ssyncset.done $0x0  }
0xa4: {  	s25 =	simm.s32 $0x1B8E;
	s24 =	sld [smem:$0x3FFE];
	[sflag:s23] =	ssyncadd.s32 $0xFFFFFFFF  }
0xa5: {  	s26 =	simm.s32 $execute0_lowered;
	[smem:$0x3FD2] =	sst s25  }
0xa6: {  	s4 =	sshll.u32 s26, $0x1;
	_ =	strace $0x80000049;
	[dreg:$0x1] =	wrdreg $0xFFFFFFFF  }
0xa7: {  	s28 =	simm.s32 $_size_execute0_lowered;
	s2 =	sadd.s32 s2, s4;
	[dreg:$0x0] =	wrdreg $0x0  }
0xa8: {  	s4 =	sshll.u32 s28, $0x1;
	[dreg:$0x2] =	wrdreg s2  }
0xa9: {  	[dreg:$0x3] =	wrdreg s4  }
0xaa: {  	[dreg:$0x4] =	wrdreg $0xC0  }
0xab: {  	_ =	task [dreg:s6], $0x5FFFF  }
0xac: {  	[dreg:$0x1] =	wrdreg $0xFFFFFFFF  }
0xad: {  	[dreg:$0x0] =	wrdreg $0x60  }
0xae: {  	[dreg:$0x2] =	wrdreg s24  }
0xaf: {  	[dreg:$0x3] =	wrdreg $0x9  }
0xb0: {  	_ =	task.clear_ibuf [dreg:s6], $0x4FFFF;
	_ =	strace $0x90000049  }
0xb1: {  	s29 =	simm.s32 $0x9;
	_ =	strace $0x8000004B  }
0xb2: {  	_ =	swait.ge [sflag:s29], $0x1  }
0xb3: {  	[sflag:s29] =	ssyncadd.s32 $0xFFFFFFFF  }
0xb4: {  	_ =	strace $0x9000004B  }
0xb5: {  	_ =	sfence  }
0xb6: {  	s30 =	sld [smem:$0x0];
	_ =	sdelay $0x2  }
0xb7: {  	s31 =	sshll.u32 s1, $0xD;
	s1 =	sshrl.u32 s1, $0x2  }
0xb8: {  	s3 =	sand.u32 $0x4000, s31;
	s1 =	sadd.s32 s1, s30  }
0xb9: {  	s0 =	sor.u32 s3, s0;
	s1 =	sshll.u32 s1, $0x11  }
0xba: {  	s0 =	sor.u32 s1, s0  }
0xbb: {  	s0 =	sadd.s32 $0x8F2B, s0  }
0xbc: {  	[sflag:s0] =	ssyncadd.remote.s32 $0x1  }
0xbd: {  	_ =	sfence.sel $0xFFFF  }
0xbe: {  	[dreg:$0x0] =	wrdreg $0xFFFFFFFF;
	(pc) =	sbr.abs _section_cstart, $3  }
0xbf: {  	[dreg:$0x1] =	wrdreg $0xFFFFFFFF  }
0xc0: {  	_ =	task.clear_ibuf [dreg:s6], $0x2FFFF;
	_ =	strace $0x9FFFFFFF  }
0xc1: {  	(tm) =	ssettm $0x7FFFFFFF  }
tec
execute0_lowered:
.L_overlay_start_1:
0x0: {  	(tag) =	ssettag $0x1  }
0x1: {  	s1 =	srdreg.scid  }
0x2: {  	s0 =	stileid.u32;
	s1 =	sand.u32 $0x1, s1  }
0x3: {  	s2 =	sshll.u32 s0, $0x5;
	s3 =	sshll.u32 s1, $0x4  }
0x4: {  	s5 =	rddreg [dreg:$0x0];
	s3 =	sor.u32 s3, s2;
	s2 =	simm.s32 $0x0  }
0x5: {  	s26 =	simm.s32 $0x880;
	[smem:$0x7FF] =	sst s2  }
0x6: {  	s0 =	simm.s32 $0x1080;
	_ =	strace $0x8000004A;
	[dreg:$0x4] =	wrdreg s26  }
0x7: {  	s6 =	simm.s32 $0x2080;
	[dreg:$0x5] =	wrdreg s0  }
0x8: {  	s7 =	simm.s32 $0x2880;
	[dreg:$0x7] =	wrdreg s6  }
0x9: {  	s8 =	simm.s32 $0x3080;
	[dreg:$0x8] =	wrdreg s7  }
0xa: {  	s9 =	simm.s32 $0x3880;
	[dreg:$0x9] =	wrdreg s8  }
0xb: {  	s10 =	simm.s32 $0x4080;
	[dreg:$0xa] =	wrdreg s9  }
0xc: {  	s11 =	simm.s32 $0x4880;
	[dreg:$0xb] =	wrdreg s10  }
0xd: {  	s12 =	simm.s32 $0x5080;
	[dreg:$0xc] =	wrdreg s11  }
0xe: {  	s13 =	simm.s32 $0x5880;
	[dreg:$0xd] =	wrdreg s12  }
0xf: {  	s14 =	simm.s32 $0x6080;
	[dreg:$0xe] =	wrdreg s13  }
0x10: {  	s15 =	simm.s32 $0x6880;
	[dreg:$0xf] =	wrdreg s14  }
0x11: {  	s16 =	simm.s32 $0x7080;
	[dreg:$0x10] =	wrdreg s15  }
0x12: {  	s17 =	simm.s32 $0x7880;
	s18 =	simm.s32 $0x8080;
	[dreg:$0x11] =	wrdreg s16  }
0x13: {  	s19 =	simm.s32 $0x8880;
	s20 =	simm.s32 $0x9080;
	[dreg:$0x12] =	wrdreg s17  }
0x14: {  	s21 =	simm.s32 $0x9880;
	s22 =	simm.s32 $0xA080;
	[dreg:$0x13] =	wrdreg s18  }
0x15: {  	s23 =	simm.s32 $0xA880;
	s24 =	simm.s32 $0xB880;
	[dreg:$0x14] =	wrdreg s19  }
0x16: {  	s28 =	simm.s32 $0x16080;
	s29 =	simm.s32 $0x16880;
	[dreg:$0x15] =	wrdreg s20  }
0x17: {  	s30 =	simm.s32 $0x17080;
	s31 =	simm.s32 $0x17880;
	[dreg:$0x16] =	wrdreg s21  }
0x18: {  	s4 =	smul.u32 $0x300, s3;
	s3 =	sadd.s32 s3, s5;
	[dreg:$0x17] =	wrdreg s22  }
0x19: {  	s1 =	ssub.s32 $0x2, s1;
	s3 =	sadd.s32 $0x5A00, s3;
	[dreg:$0x18] =	wrdreg s23  }
0x1a: {  	s6 =	sshrl.u32 s1, $0x1;
	s7 =	simm.s32 $0xB080;
	[dreg:$0x1a] =	wrdreg s24  }
0x1b: {  	s8 =	simm.s32 $0x80;
	s26 =	simm.s32 $0xC880;
	s10 =	simm.s32 $0xD880  }
0x1c: {  	s11 =	simm.s32 $0xE080;
	s12 =	simm.s32 $0xE880;
	s13 =	simm.s32 $0xF080  }
0x1d: {  	s14 =	simm.s32 $0xF880;
	s15 =	simm.s32 $0x10080;
	s16 =	simm.s32 $0x10880  }
0x1e: {  	s17 =	simm.s32 $0x11080;
	s18 =	simm.s32 $0x11880;
	s19 =	simm.s32 $0x12080  }
0x1f: {  	s20 =	simm.s32 $0x12880;
	s21 =	simm.s32 $0x13080;
	s22 =	simm.s32 $0x13880  }
0x20: {  	s23 =	simm.s32 $0x14080;
	s24 =	simm.s32 $0x14880;
	[dreg:$0x2] =	wrdreg s3  }
0x21: {  	s4 =	sadd.s32 s4, s5;
	s3 =	sadd.s32 $0x5C00, s5;
	[dreg:$0x19] =	wrdreg s7  }
0x22: {  	s1 =	ssub.s32 s1, s6;
	s7 =	simm.s32 $0x2;
	[dreg:$0x1c] =	wrdreg s26  }
0x23: {  	s26 =	simm.s32 $0x15880;
	s25 =	sadd.s32 $0x95C00, s4;
	s4 =	simm.s32 $0x1880  }
0x24: {  	v2 =	vlaneseq.u32;
	s6 =	smax.u32 s1, $0x1;
	s1 =	simm.s32 $0x1;
	[dreg:$0x3] =	wrdreg s25  }
0x25: {  	vm0 =	vmmov $0xffff;
	v1 =	vshrl.u32 v2, $0x3;
	[dreg:$0x6] =	wrdreg s4;
	s4 =	sadd.s32 $0x5D00, s5;
	s25 =	simm.s32 $0xC080  }
0x26: {  	v0 =	vand.u32 $0x7, v2;
	v2 =	vor.u32 $0x8, v2;
	v1 =	vmul.u32 $0x8, v1;
	s5 =	sadd.s32 $0x5E00, s5;
	[dreg:$0x1b] =	wrdreg s25;
	s25 =	simm.s32 $0x15080  }
.LBB2_1:
0x27: {  	s0 =	rddreg [dreg:$0x2]  }
0x28: {  	[tilespmem:s2], [sflag:$0x2] =	stream.linear.gather [hbm4b:s0+s2], $0x80, $0x38;
	[tilespmem:$0x18080] =	vst v63  }
0x29: {  	_ =	swait.ge [sflag:s7], $0x80  }
0x2a: {  	[sflag:s7] =	ssyncset.done $0x0  }
0x2b: {  	[sflag:s7] =	ssyncadd.s32 $0xFFFFFF80  }
0x2c: {  	v3 =	vld [tilespmem:$0x0];
	_ =	sdelay $0x4  }
0x2d: {  	v4 =	vshrl.u32 v3, $0x3  }
0x2e: {  	v4 =	vmul.u32 $0x30, v4  }
0x2f: {  	v3 =	vand.u32 $0x7, v3  }
0x30: {  	v3 =	vor.u32 v3, v4  }
0x31: {  	v4 =	vperm.xlane v3, v0;
	_ =	sdelay $0x1  }
0x32: {  	v4 =	vadd.s32 v1, v4;
	_ =	sdelay $0x3  }
0x33: {  	v3 =	vperm.xlane v3, v2  }
0x34: {  	[tilespmem:s8], [sflag:$0x1] =	stream.indirect_vreg.gather [hbm4b:s3+s2], $0x80, v4, vm0, $0xb8;
	[tilespmem:$0x18080] =	vst v63  }
0x35: {  	s0 =	rddreg [dreg:$0x4];
	v3 =	vadd.s32 v1, v3  }
0x36: {  	[tilespmem:s0], [sflag:$0x1] =	stream.indirect_vreg.gather [hbm4b:s4+s2], $0x80, v4, vm0, $0xb8;
	[tilespmem:$0x18080] =	vst v63  }
0x37: {  	s9 =	rddreg [dreg:$0x5]  }
0x38: {  	[tilespmem:s9], [sflag:$0x1] =	stream.indirect_vreg.gather [hbm4b:s5+s2], $0x80, v4, vm0, $0xb8;
	[tilespmem:$0x18080] =	vst v63  }
0x39: {  	s0 =	rddreg [dreg:$0x6]  }
0x3a: {  	[tilespmem:s0], [sflag:$0x1] =	stream.indirect_vreg.gather [hbm4b:s3+s2], $0x80, v3, vm0, $0xb8;
	[tilespmem:$0x18080] =	vst v63  }
0x3b: {  	s9 =	rddreg [dreg:$0x7]  }
0x3c: {  	[tilespmem:s9], [sflag:$0x1] =	stream.indirect_vreg.gather [hbm4b:s4+s2], $0x80, v3, vm0, $0xb8;
	[tilespmem:$0x18080] =	vst v63  }
0x3d: {  	s0 =	rddreg [dreg:$0x8]  }
0x3e: {  	[tilespmem:s0], [sflag:$0x1] =	stream.indirect_vreg.gather [hbm4b:s5+s2], $0x80, v3, vm0, $0xb8;
	[tilespmem:$0x18080] =	vst v63  }
0x3f: {  	v3 =	vld [tilespmem:$0x10];
	_ =	sdelay $0x4  }
0x40: {  	v57 =	vshrl.u32 v3, $0x3  }
0x41: {  	v4 =	vmul.u32 $0x30, v57  }
0x42: {  	v3 =	vand.u32 $0x7, v3  }
0x43: {  	v3 =	vor.u32 v3, v4  }
0x44: {  	v4 =	vperm.xlane v3, v0;
	_ =	sdelay $0x1  }
0x45: {  	v4 =	vadd.s32 v1, v4;
	_ =	sdelay $0x3  }
0x46: {  	s0 =	rddreg [dreg:$0x9];
	v3 =	vperm.xlane v3, v2  }
0x47: {  	[tilespmem:s0], [sflag:$0x1] =	stream.indirect_vreg.gather [hbm4b:s3+s2], $0x80, v4, vm0, $0xb8;
	[tilespmem:$0x18080] =	vst v63  }
0x48: {  	s9 =	rddreg [dreg:$0xa];
	v3 =	vadd.s32 v1, v3  }
0x49: {  	[tilespmem:s9], [sflag:$0x1] =	stream.indirect_vreg.gather [hbm4b:s4+s2], $0x80, v4, vm0, $0xb8;
	[tilespmem:$0x18080] =	vst v63  }
0x4a: {  	s0 =	rddreg [dreg:$0xb]  }
0x4b: {  	[tilespmem:s0], [sflag:$0x1] =	stream.indirect_vreg.gather [hbm4b:s5+s2], $0x80, v4, vm0, $0xb8;
	[tilespmem:$0x18080] =	vst v63  }
0x4c: {  	s9 =	rddreg [dreg:$0xc]  }
0x4d: {  	[tilespmem:s9], [sflag:$0x1] =	stream.indirect_vreg.gather [hbm4b:s3+s2], $0x80, v3, vm0, $0xb8;
	[tilespmem:$0x18080] =	vst v63  }
0x4e: {  	s0 =	rddreg [dreg:$0xd]  }
0x4f: {  	[tilespmem:s0], [sflag:$0x1] =	stream.indirect_vreg.gather [hbm4b:s4+s2], $0x80, v3, vm0, $0xb8;
	[tilespmem:$0x18080] =	vst v63  }
0x50: {  	s9 =	rddreg [dreg:$0xe]  }
0x51: {  	[tilespmem:s9], [sflag:$0x1] =	stream.indirect_vreg.gather [hbm4b:s5+s2], $0x80, v3, vm0, $0xb8;
	[tilespmem:$0x18080] =	vst v63  }
0x52: {  	v3 =	vld [tilespmem:$0x20];
	_ =	sdelay $0x4  }
0x53: {  	v58 =	vshrl.u32 v3, $0x3  }
0x54: {  	v4 =	vmul.u32 $0x30, v58  }
0x55: {  	v3 =	vand.u32 $0x7, v3  }
0x56: {  	v3 =	vor.u32 v3, v4  }
0x57: {  	v4 =	vperm.xlane v3, v0;
	_ =	sdelay $0x1  }
0x58: {  	v4 =	vadd.s32 v1, v4;
	_ =	sdelay $0x3  }
0x59: {  	s0 =	rddreg [dreg:$0xf];
	v3 =	vperm.xlane v3, v2  }
0x5a: {  	[tilespmem:s0], [sflag:$0x1] =	stream.indirect_vreg.gather [hbm4b:s3+s2], $0x80, v4, vm0, $0xb8;
	[tilespmem:$0x18080] =	vst v63  }
0x5b: {  	s9 =	rddreg [dreg:$0x10];
	v3 =	vadd.s32 v1, v3  }
0x5c: {  	[tilespmem:s9], [sflag:$0x1] =	stream.indirect_vreg.gather [hbm4b:s4+s2], $0x80, v4, vm0, $0xb8;
	[tilespmem:$0x18080] =	vst v63  }
0x5d: {  	s0 =	rddreg [dreg:$0x11]  }
0x5e: {  	[tilespmem:s0], [sflag:$0x1] =	stream.indirect_vreg.gather [hbm4b:s5+s2], $0x80, v4, vm0, $0xb8;
	[tilespmem:$0x18080] =	vst v63  }
0x5f: {  	s9 =	rddreg [dreg:$0x12]  }
0x60: {  	[tilespmem:s9], [sflag:$0x1] =	stream.indirect_vreg.gather [hbm4b:s3+s2], $0x80, v3, vm0, $0xb8;
	[tilespmem:$0x18080] =	vst v63  }
0x61: {  	s0 =	rddreg [dreg:$0x13]  }
0x62: {  	[tilespmem:s0], [sflag:$0x1] =	stream.indirect_vreg.gather [hbm4b:s4+s2], $0x80, v3, vm0, $0xb8;
	[tilespmem:$0x18080] =	vst v63  }
0x63: {  	s9 =	rddreg [dreg:$0x14]  }
0x64: {  	[tilespmem:s9], [sflag:$0x1] =	stream.indirect_vreg.gather [hbm4b:s5+s2], $0x80, v3, vm0, $0xb8;
	[tilespmem:$0x18080] =	vst v63  }
0x65: {  	v3 =	vld [tilespmem:$0x30];
	_ =	sdelay $0x4  }
0x66: {  	v59 =	vshrl.u32 v3, $0x3  }
0x67: {  	v4 =	vmul.u32 $0x30, v59  }
0x68: {  	v3 =	vand.u32 $0x7, v3  }
0x69: {  	v3 =	vor.u32 v3, v4  }
0x6a: {  	v4 =	vperm.xlane v3, v0;
	_ =	sdelay $0x1  }
0x6b: {  	v4 =	vadd.s32 v1, v4;
	_ =	sdelay $0x3  }
0x6c: {  	s0 =	rddreg [dreg:$0x15];
	v3 =	vperm.xlane v3, v2  }
0x6d: {  	[tilespmem:s0], [sflag:$0x1] =	stream.indirect_vreg.gather [hbm4b:s3+s2], $0x80, v4, vm0, $0xb8;
	[tilespmem:$0x18080] =	vst v63  }
0x6e: {  	s9 =	rddreg [dreg:$0x16];
	v3 =	vadd.s32 v1, v3  }
0x6f: {  	[tilespmem:s9], [sflag:$0x1] =	stream.indirect_vreg.gather [hbm4b:s4+s2], $0x80, v4, vm0, $0xb8;
	[tilespmem:$0x18080] =	vst v63  }
0x70: {  	s0 =	rddreg [dreg:$0x17]  }
0x71: {  	[tilespmem:s0], [sflag:$0x1] =	stream.indirect_vreg.gather [hbm4b:s5+s2], $0x80, v4, vm0, $0xb8;
	[tilespmem:$0x18080] =	vst v63  }
0x72: {  	s9 =	rddreg [dreg:$0x18]  }
0x73: {  	[tilespmem:s9], [sflag:$0x1] =	stream.indirect_vreg.gather [hbm4b:s3+s2], $0x80, v3, vm0, $0xb8;
	[tilespmem:$0x18080] =	vst v63  }
0x74: {  	s0 =	rddreg [dreg:$0x19]  }
0x75: {  	[tilespmem:s0], [sflag:$0x1] =	stream.indirect_vreg.gather [hbm4b:s4+s2], $0x80, v3, vm0, $0xb8;
	[tilespmem:$0x18080] =	vst v63  }
0x76: {  	s9 =	rddreg [dreg:$0x1a]  }
0x77: {  	[tilespmem:s9], [sflag:$0x1] =	stream.indirect_vreg.gather [hbm4b:s5+s2], $0x80, v3, vm0, $0xb8;
	[tilespmem:$0x18080] =	vst v63  }
0x78: {  	v3 =	vld [tilespmem:$0x40];
	_ =	sdelay $0x4  }
0x79: {  	v60 =	vshrl.u32 v3, $0x3  }
0x7a: {  	v4 =	vmul.u32 $0x30, v60  }
0x7b: {  	v3 =	vand.u32 $0x7, v3  }
0x7c: {  	v3 =	vor.u32 v3, v4  }
0x7d: {  	v4 =	vperm.xlane v3, v0;
	_ =	sdelay $0x1  }
0x7e: {  	v4 =	vadd.s32 v1, v4;
	_ =	sdelay $0x3  }
0x7f: {  	s0 =	rddreg [dreg:$0x1b];
	v3 =	vperm.xlane v3, v2  }
0x80: {  	[tilespmem:s0], [sflag:$0x1] =	stream.indirect_vreg.gather [hbm4b:s3+s2], $0x80, v4, vm0, $0xb8;
	[tilespmem:$0x18080] =	vst v63  }
0x81: {  	s9 =	rddreg [dreg:$0x1c];
	v3 =	vadd.s32 v1, v3  }
0x82: {  	[tilespmem:s9], [sflag:$0x1] =	stream.indirect_vreg.gather [hbm4b:s4+s2], $0x80, v4, vm0, $0xb8;
	[tilespmem:$0x18080] =	vst v63  }
0x83: {  	s9 =	simm.s32 $0xD080  }
0x84: {  	[tilespmem:s9], [sflag:$0x1] =	stream.indirect_vreg.gather [hbm4b:s5+s2], $0x80, v4, vm0, $0xb8;
	[tilespmem:$0x18080] =	vst v63  }
0x85: {  	_ = 	snop  }
0x86: {  	[tilespmem:s10], [sflag:$0x1] =	stream.indirect_vreg.gather [hbm4b:s3+s2], $0x80, v3, vm0, $0xb8;
	[tilespmem:$0x18080] =	vst v63  }
0x87: {  	_ = 	snop  }
0x88: {  	[tilespmem:s11], [sflag:$0x1] =	stream.indirect_vreg.gather [hbm4b:s4+s2], $0x80, v3, vm0, $0xb8;
	[tilespmem:$0x18080] =	vst v63  }
0x89: {  	_ = 	snop  }
0x8a: {  	[tilespmem:s12], [sflag:$0x1] =	stream.indirect_vreg.gather [hbm4b:s5+s2], $0x80, v3, vm0, $0xb8;
	[tilespmem:$0x18080] =	vst v63  }
0x8b: {  	v3 =	vld [tilespmem:$0x50];
	_ =	sdelay $0x4  }
0x8c: {  	v61 =	vshrl.u32 v3, $0x3  }
0x8d: {  	v4 =	vmul.u32 $0x30, v61  }
0x8e: {  	v3 =	vand.u32 $0x7, v3  }
0x8f: {  	v3 =	vor.u32 v3, v4  }
0x90: {  	v4 =	vperm.xlane v3, v0;
	_ =	sdelay $0x1  }
0x91: {  	v4 =	vadd.s32 v1, v4;
	_ =	sdelay $0x3  }
0x92: {  	v3 =	vperm.xlane v3, v2  }
0x93: {  	[tilespmem:s13], [sflag:$0x1] =	stream.indirect_vreg.gather [hbm4b:s3+s2], $0x80, v4, vm0, $0xb8;
	[tilespmem:$0x18080] =	vst v63  }
0x94: {  	v3 =	vadd.s32 v1, v3  }
0x95: {  	[tilespmem:s14], [sflag:$0x1] =	stream.indirect_vreg.gather [hbm4b:s4+s2], $0x80, v4, vm0, $0xb8;
	[tilespmem:$0x18080] =	vst v63  }
0x96: {  	_ = 	snop  }
0x97: {  	[tilespmem:s15], [sflag:$0x1] =	stream.indirect_vreg.gather [hbm4b:s5+s2], $0x80, v4, vm0, $0xb8;
	[tilespmem:$0x18080] =	vst v63  }
0x98: {  	_ = 	snop  }
0x99: {  	[tilespmem:s16], [sflag:$0x1] =	stream.indirect_vreg.gather [hbm4b:s3+s2], $0x80, v3, vm0, $0xb8;
	[tilespmem:$0x18080] =	vst v63  }
0x9a: {  	_ = 	snop  }
0x9b: {  	[tilespmem:s17], [sflag:$0x1] =	stream.indirect_vreg.gather [hbm4b:s4+s2], $0x80, v3, vm0, $0xb8;
	[tilespmem:$0x18080] =	vst v63  }
0x9c: {  	_ = 	snop  }
0x9d: {  	[tilespmem:s18], [sflag:$0x1] =	stream.indirect_vreg.gather [hbm4b:s5+s2], $0x80, v3, vm0, $0xb8;
	[tilespmem:$0x18080] =	vst v63  }
0x9e: {  	v3 =	vld [tilespmem:$0x60];
	_ =	sdelay $0x4  }
0x9f: {  	v62 =	vshrl.u32 v3, $0x3  }
0xa0: {  	v4 =	vmul.u32 $0x30, v62  }
0xa1: {  	v3 =	vand.u32 $0x7, v3  }
0xa2: {  	v3 =	vor.u32 v3, v4  }
0xa3: {  	v4 =	vperm.xlane v3, v0;
	_ =	sdelay $0x1  }
0xa4: {  	v4 =	vadd.s32 v1, v4;
	_ =	sdelay $0x3  }
0xa5: {  	v3 =	vperm.xlane v3, v2  }
0xa6: {  	[tilespmem:s19], [sflag:$0x1] =	stream.indirect_vreg.gather [hbm4b:s3+s2], $0x80, v4, vm0, $0xb8;
	[tilespmem:$0x18080] =	vst v63  }
0xa7: {  	v3 =	vadd.s32 v1, v3  }
0xa8: {  	[tilespmem:s20], [sflag:$0x1] =	stream.indirect_vreg.gather [hbm4b:s4+s2], $0x80, v4, vm0, $0xb8;
	[tilespmem:$0x18080] =	vst v63  }
0xa9: {  	_ = 	snop  }
0xaa: {  	[tilespmem:s21], [sflag:$0x1] =	stream.indirect_vreg.gather [hbm4b:s5+s2], $0x80, v4, vm0, $0xb8;
	[tilespmem:$0x18080] =	vst v63  }
0xab: {  	_ = 	snop  }
0xac: {  	[tilespmem:s22], [sflag:$0x1] =	stream.indirect_vreg.gather [hbm4b:s3+s2], $0x80, v3, vm0, $0xb8;
	[tilespmem:$0x18080] =	vst v63  }
0xad: {  	_ = 	snop  }
0xae: {  	[tilespmem:s23], [sflag:$0x1] =	stream.indirect_vreg.gather [hbm4b:s4+s2], $0x80, v3, vm0, $0xb8;
	[tilespmem:$0x18080] =	vst v63  }
0xaf: {  	_ = 	snop  }
0xb0: {  	[tilespmem:s24], [sflag:$0x1] =	stream.indirect_vreg.gather [hbm4b:s5+s2], $0x80, v3, vm0, $0xb8;
	[tilespmem:$0x18080] =	vst v63  }
0xb1: {  	v3 =	vld [tilespmem:$0x70];
	_ =	sdelay $0x4  }
0xb2: {  	v63 =	vshrl.u32 v3, $0x3  }
0xb3: {  	v4 =	vmul.u32 $0x30, v63  }
0xb4: {  	v3 =	vand.u32 $0x7, v3  }
0xb5: {  	v3 =	vor.u32 v3, v4  }
0xb6: {  	v4 =	vperm.xlane v3, v0;
	_ =	sdelay $0x1  }
0xb7: {  	v4 =	vadd.s32 v1, v4;
	_ =	sdelay $0x3  }
0xb8: {  	v3 =	vperm.xlane v3, v2  }
0xb9: {  	[tilespmem:s25], [sflag:$0x1] =	stream.indirect_vreg.gather [hbm4b:s3+s2], $0x80, v4, vm0, $0xb8;
	[tilespmem:$0x18080] =	vst v63  }
0xba: {  	v3 =	vadd.s32 v1, v3  }
0xbb: {  	[tilespmem:s26], [sflag:$0x1] =	stream.indirect_vreg.gather [hbm4b:s4+s2], $0x80, v4, vm0, $0xb8;
	[tilespmem:$0x18080] =	vst v63  }
0xbc: {  	_ = 	snop  }
0xbd: {  	[tilespmem:s28], [sflag:$0x1] =	stream.indirect_vreg.gather [hbm4b:s5+s2], $0x80, v4, vm0, $0xb8;
	[tilespmem:$0x18080] =	vst v63  }
0xbe: {  	_ = 	snop  }
0xbf: {  	[tilespmem:s29], [sflag:$0x1] =	stream.indirect_vreg.gather [hbm4b:s3+s2], $0x80, v3, vm0, $0xb8;
	[tilespmem:$0x18080] =	vst v63  }
0xc0: {  	_ = 	snop  }
0xc1: {  	[tilespmem:s30], [sflag:$0x1] =	stream.indirect_vreg.gather [hbm4b:s4+s2], $0x80, v3, vm0, $0xb8;
	[tilespmem:$0x18080] =	vst v63  }
0xc2: {  	_ = 	snop  }
0xc3: {  	[tilespmem:s31], [sflag:$0x1] =	stream.indirect_vreg.gather [hbm4b:s5+s2], $0x80, v3, vm0, $0xb8;
	[tilespmem:$0x18080] =	vst v63  }
0xc4: {  	_ =	swait.ge [sflag:s1], $0x18000  }
0xc5: {  	p0 =	sne.s32 s6, $0x1;
	[sflag:s1] =	ssyncset.done $0x0  }
.Ltmp0:
0xc6: {  	s9 =	rddreg [dreg:$0x3];
	[sflag:s1] =	ssyncadd.s32 $0xFFFE8000;
	(pc) =	sbr.rel @p0 .LBB2_1-.Ltmp0, $4  }
0xc7: {  	[hbm4b:s9+s2] =	stream.linear.scatter [tilespmem:s8], [sflag:$0x2], $0x18000, $0x38;
	[tilespmem:$0x18080] =	vst v63  }
0xc8: {  	_ =	swait.ge [sflag:s7], $0x18000  }
0xc9: {  	[sflag:s7] =	ssyncset.done $0x0  }
0xca: {  	s6 =	sadd.s32 $0xFFFFFFFF, s6;
	[sflag:s7] =	ssyncadd.s32 $0xFFFE8000  }
0xcb: {  	_ =	sfence.sel $0x180000  }
0xcc: {  	[bflag:$0x0] =	sbarrier.arrive $0xFFFF  }
0xcd: {  	_ =	strace $0x9000004A  }
0xce: {  	s0 =	stileid.u32;
	[bflag:$0x2] =	sbarrier.arrive $0xFFFF  }
0xcf: {  	p0 =	sne.s32 s0, $0x0;
	s0 =	rddreg [dreg:$0x1]  }
0xd0: {  	s0 =	sadd.s32 @!p0 $0x100000, s0  }
0xd1: {  	[sflag:s0] =	ssyncadd.tile.s32 @!p0 $0x1;
	_ =	shalt  }
.Lfunc_end2:
_tile_overlayer_lowered:
.L_overlay_start_2:
0xd2: {  	(tag) =	ssettag $0x2  }
0xd3: {  	s0 =	rddreg [dreg:$0x0];
	s2 =	stileid.u32  }
0xd4: {  	s1 =	rddreg [dreg:$0x1];
	p0 =	sne.s32 s2, $0x0  }
0xd5: {  	s3 =	rddreg [dreg:$0x2];
	[bflag:$0x3] =	sbarrier.arrive $0xFFFF;
	s2 =	simm.s32 @!p0 $0x1C02  }
0xd6: {  	[timem:s3], [sflag:s2] =	dma.local @!p0 [hbm:s0], s1  }
0xd7: {  	s0 =	simm.s32 @!p0 $0x2  }
0xd8: {  	_ =	swait.ge @!p0 [sflag:s0], s1  }
0xd9: {  	s1 =	ssub.s32 @!p0 $0x0, s1;
	[sflag:s0] =	ssyncset.done @!p0 $0x0  }
0xda: {  	[sflag:s0] =	ssyncadd.s32 @!p0 s1  }
0xdb: {  	[bflag:$0x3] =	sbarrier.arrive $0xFFFF  }
0xdc: {  	_ =	shalt  }

</sc_bundles>
